<compile_context>
chip_gen: v7x
topology: tpu7x:2x2x1
jax: 0.10.2.dev20260603
libtpu: 0.0.44.dev20260713+nightly
codegen_flags: <defaults>
</compile_context>

<pallas_src>
import functools

import jax
import jax.numpy as jnp
from jax import lax
from jax.experimental import pallas as pl
from jax.experimental.pallas import tpu as pltpu
from jax.experimental.pallas import tpu_sc as plsc

_THRESHOLD = 0.5
_NEG_POS = 3
_ALPHA = 0.5

_B = 32
_ND = 24564
_NDP = 24576
_NC = 21
_NOBJ = 16
_UNROLL = 8


def _match_body(boxes_ref, gtab_ref, labels_ref, defxy_ref, defct_ref,
                tct_ref):
    f32 = jnp.float32
    bx = boxes_ref[0]
    b_x0, b_y0 = bx[:, 0:1], bx[:, 1:2]
    b_x1, b_y1 = bx[:, 2:3], bx[:, 3:4]
    d_x0 = defxy_ref[0:1, :]
    d_y0 = defxy_ref[1:2, :]
    d_x1 = defxy_ref[2:3, :]
    d_y1 = defxy_ref[3:4, :]

    w = jnp.maximum(jnp.minimum(b_x1, d_x1) - jnp.maximum(b_x0, d_x0), 0.0)
    h = jnp.maximum(jnp.minimum(b_y1, d_y1) - jnp.maximum(b_y0, d_y0), 0.0)
    inter = w * h
    area_a = (b_x1 - b_x0) * (b_y1 - b_y0)
    area_b = (d_x1 - d_x0) * (d_y1 - d_y0)
    iou = inter / (area_a + area_b - inter)

    obj_iota = lax.broadcasted_iota(jnp.int32, (_NOBJ, _ND), 0)
    lane_iota = lax.broadcasted_iota(jnp.int32, (_NOBJ, _ND), 1)

    ovl = jnp.max(iou, axis=0, keepdims=True)
    rowmax = jnp.max(iou, axis=1, keepdims=True)
    dbo = jnp.min(jnp.where(iou == rowmax, lane_iota, _ND),
                  axis=1, keepdims=True)

    feq = dbo == lane_iota
    jf = jnp.max(jnp.where(feq, obj_iota, -1), axis=0, keepdims=True)
    forced = jf >= 0
    ovl_f = jnp.where(forced, 1.0, ovl)

    onehot = jnp.where(forced,
                       (feq & (obj_iota == jf)).astype(f32),
                       (iou == ovl).astype(f32))
    dn = (((1,), (0,)), ((), ()))
    tl = lax.dot_general(labels_ref[0], onehot, dn,
                         preferred_element_type=f32)
    tl = jnp.floor(tl + 0.5)
    g = lax.dot_general(gtab_ref[0], onehot, dn,
                        preferred_element_type=f32)

    tcls = jnp.where(ovl_f < _THRESHOLD, 0.0, tl)

    dcx = defct_ref[0:1, :]
    dcy = defct_ref[1:2, :]
    dw = defct_ref[2:3, :]
    dh = defct_ref[3:4, :]
    eps = 1e-6
    enc_x = (g[0:1, :] - dcx) / (dw / 10 + eps)
    enc_y = (g[1:2, :] - dcy) / (dh / 10 + eps)
    enc_w = jnp.log(g[2:3, :] / dw + eps) * 5
    enc_h = jnp.log(g[3:4, :] / dh + eps) * 5
    tloc = jnp.concatenate([enc_x, enc_y, enc_w, enc_h], axis=0)

    tct_ref[:, _NDP - 128:_NDP] = jnp.zeros((8, 128), f32)
    tct_ref[0:4, 0:_ND] = tloc
    tct_ref[4, 0:_ND] = tcls[0, :]


def _match_pass(boxes, gtab, labels_f, defxy_t, defct_t):
    return pl.pallas_call(
        _match_body, grid=(_B,),
        in_specs=[
            pl.BlockSpec((1, _NOBJ, 4), lambda i: (i, 0, 0)),
            pl.BlockSpec((1, 4, _NOBJ), lambda i: (i, 0, 0)),
            pl.BlockSpec((1, 1, _NOBJ), lambda i: (i, 0, 0)),
            pl.BlockSpec((4, _ND), lambda i: (0, 0)),
            pl.BlockSpec((4, _ND), lambda i: (0, 0)),
        ],
        out_specs=pl.BlockSpec((8, _NDP), lambda i: (i, 0)),
        out_shape=jax.ShapeDtypeStruct((_B * 8, _NDP), jnp.float32),
    )(boxes, gtab, labels_f, defxy_t, defct_t)


def _dense_body(cls_ref, locs_ref, tct_ref, stats_ref, cp_ref):
    f32 = jnp.float32
    x = cls_ref[0]
    locs = locs_ref[0]
    tloc = tct_ref[0:4, 0:_ND]
    tcls = tct_ref[4:5, 0:_ND]
    posm = tcls != 0.0

    d = locs - tloc
    ad = jnp.abs(d)
    sl1 = jnp.where(ad < 1.0, 0.5 * d * d, ad - 0.5)
    sl1_sum = jnp.sum(jnp.where(posm, sl1, 0.0))

    mx = jnp.max(x, axis=0, keepdims=True)
    lse = mx + jnp.log(jnp.sum(jnp.exp(x - mx), axis=0, keepdims=True))
    cls_iota = lax.broadcasted_iota(jnp.int32, (_NC, _ND), 0)
    xt = jnp.sum(jnp.where(cls_iota == tcls.astype(jnp.int32), x, 0.0),
                 axis=0, keepdims=True)
    aconf = lse - xt

    posf = jnp.where(posm, 1.0, 0.0)
    n_pos = jnp.sum(posf)
    pos_sum = jnp.sum(jnp.where(posm, aconf, 0.0))

    cp_ref[:, _NDP - 128:_NDP] = jnp.zeros((8, 128), f32)
    cp_ref[0, 0:_ND] = aconf[0, :]
    cp_ref[1, 0:_ND] = posf[0, :]

    r = lax.broadcasted_iota(jnp.int32, (1, 128), 1)
    row = jnp.where(r == 0, sl1_sum, 0.0)
    row = jnp.where(r == 1, n_pos, row)
    row = jnp.where(r == 2, pos_sum, row)
    stats_ref[0, :, :] = row


def _dense_pass(cls_t, locs_t, tct):
    return pl.pallas_call(
        _dense_body, grid=(_B,),
        in_specs=[
            pl.BlockSpec((1, _NC, _ND), lambda i: (i, 0, 0)),
            pl.BlockSpec((1, 4, _ND), lambda i: (i, 0, 0)),
            pl.BlockSpec((8, _NDP), lambda i: (i, 0)),
        ],
        out_specs=[
            pl.BlockSpec((1, 1, 128), lambda i: (i, 0, 0)),
            pl.BlockSpec((8, _NDP), lambda i: (i, 0)),
        ],
        out_shape=[
            jax.ShapeDtypeStruct((_B, 1, 128), jnp.float32),
            jax.ShapeDtypeStruct((_B * 8, _NDP), jnp.float32),
        ],
    )(cls_t, locs_t, tct)


def _sc_mine(cp2d):
    info = plsc.get_sparse_core_info()
    nc = info.num_cores
    mesh = plsc.VectorSubcoreMesh(core_axis_name="c", subcore_axis_name="s")
    nch = _NDP // (16 * _UNROLL)

    @functools.partial(
        pl.kernel, mesh=mesh,
        out_type=jax.ShapeDtypeStruct((_B, 16), jnp.float32),
        scratch_types=[
            pltpu.VMEM((_NDP,), jnp.float32),
            pltpu.VMEM((_NDP,), jnp.float32),
            pltpu.VMEM((_NDP,), jnp.int32),
            pltpu.VMEM((16,), jnp.float32),
        ],
    )
    def body(cp_hbm, out_hbm, conf_v, posf_v, negi_v, row_v):
        wid = lax.axis_index("s") * nc + lax.axis_index("c")
        pltpu.sync_copy(cp_hbm.at[8 * wid], conf_v)
        pltpu.sync_copy(cp_hbm.at[8 * wid + 1], posf_v)

        def hsum(vec):
            s = vec[0]
            for j in range(1, 16):
                s = s + vec[j]
            return s

        def prep(i, car):
            np_acc, ps_acc = car
            for j in range(_UNROLL):
                o = i * (16 * _UNROLL) + j * 16
                cc = conf_v[pl.ds(o, 16)]
                p = posf_v[pl.ds(o, 16)]
                neg = cc * (1.0 - p)
                negi_v[pl.ds(o, 16)] = lax.bitcast_convert_type(neg, jnp.int32)
                np_acc = np_acc + p
                ps_acc = ps_acc + cc * p
            return np_acc, ps_acc

        z = jnp.zeros((16,), jnp.float32)
        np_acc, ps_acc = lax.fori_loop(0, nch, prep, (z, z))
        n_pos = hsum(np_acc)
        pos_sum = hsum(ps_acc)
        k = _NEG_POS * n_pos.astype(jnp.int32)

        def count_ge(t):
            def cbody(i, acc):
                for j in range(_UNROLL):
                    v = negi_v[pl.ds(i * (16 * _UNROLL) + j * 16, 16)]
                    acc = acc + jnp.where(v >= t, 1, 0)
                return acc
            cnt = lax.fori_loop(0, nch, cbody,
                                jnp.zeros((16,), jnp.int32))
            return hsum(cnt)

        def sbody(b, m):
            cand = m | (jnp.int32(1) << (jnp.int32(30) - b))
            return jnp.where(count_ge(cand) >= k, cand, m)

        m = lax.fori_loop(0, 22, sbody, jnp.int32(0))

        def fbody(i, car):
            s_acc, c_acc = car
            for j in range(_UNROLL):
                vi = negi_v[pl.ds(i * (16 * _UNROLL) + j * 16, 16)]
                vf = lax.bitcast_convert_type(vi, jnp.float32)
                gt = vi > m
                s_acc = s_acc + jnp.where(gt, vf, 0.0)
                c_acc = c_acc + jnp.where(gt, 1, 0)
            return s_acc, c_acc

        s_acc, c_acc = lax.fori_loop(
            0, nch, fbody,
            (jnp.zeros((16,), jnp.float32), jnp.zeros((16,), jnp.int32)))
        s = hsum(s_acc)
        c_strict = hsum(c_acc)
        m_f_vec = lax.bitcast_convert_type(
            jnp.broadcast_to(m, (16,)), jnp.float32)
        fill_vec = (k - c_strict).astype(jnp.float32) * m_f_vec
        neg_sum_vec = jnp.where(k > 0, s + fill_vec, 0.0)

        r = lax.broadcasted_iota(jnp.int32, (16,), 0)
        row = jnp.where(r == 0, neg_sum_vec, 0.0)
        row = jnp.where(r == 1, pos_sum, row)
        row = jnp.where(r == 2, n_pos, row)
        row_v[...] = row
        pltpu.sync_copy(row_v, out_hbm.at[wid])

    return body(cp2d)


def kernel(locs_pred, cls_pred, boxes, labels, default_boxes):
    f32 = jnp.float32
    cls_t = jnp.transpose(cls_pred, (0, 2, 1))
    locs_t = jnp.transpose(locs_pred, (0, 2, 1))
    d = default_boxes
    defxy = jnp.concatenate([d[:, :2] - d[:, 2:] / 2,
                             d[:, :2] + d[:, 2:] / 2], axis=1)
    defxy_t = jnp.transpose(defxy, (1, 0))
    defct_t = jnp.transpose(d, (1, 0))
    b0, b1 = boxes[..., 0], boxes[..., 1]
    b2, b3 = boxes[..., 2], boxes[..., 3]
    gtab = jnp.stack([(b0 + b2) / 2, (b1 + b3) / 2, b2 - b0, b3 - b1],
                     axis=1)
    labels_f = labels.astype(f32)[:, None, :]

    tct = _match_pass(boxes, gtab, labels_f, defxy_t, defct_t)
    stats, cp2d = _dense_pass(cls_t, locs_t, tct)
    sc_out = _sc_mine(cp2d)

    sl1_total = jnp.sum(stats[:, 0, 0])
    n_pos_total = jnp.sum(stats[:, 0, 1])
    pos_sum = jnp.sum(stats[:, 0, 2])
    neg_sum = jnp.sum(sc_out[:, 0])
    loc_loss = sl1_total / jnp.maximum(n_pos_total * 4.0, 1.0)
    conf_loss = (neg_sum + pos_sum) / jnp.maximum(n_pos_total, 1.0)
    return _ALPHA * loc_loss + conf_loss

# --- scband reference (transcript-rebuilt; emitter-appended) ---
"""Pipeline reference for scband-multi-box-loss-4990751998352 (READ-ONLY COPY).

The authoritative reference and input builder live on the scoring server;
editing this copy changes nothing except your own understanding.
"""

import jax, jax.numpy as jnp
import numpy as np

THRESHOLD = 0.5
NEG_POS = 3
ALPHA = 0.5


def cxcy2xy(b):
    return jnp.concatenate([b[:, :2] - b[:, 2:] / 2, b[:, :2] + b[:, 2:] / 2], axis=1)


def xy2cxcy(b):
    return jnp.concatenate([(b[:, 2:] + b[:, :2]) / 2, b[:, 2:] - b[:, :2]], axis=1)


def encode_boxes(boxes, d):
    eps = 1e-06
    return jnp.concatenate([(boxes[:, :2] - d[:, :2]) / (d[:, 2:] / 10 + eps),
                            jnp.log(boxes[:, 2:] / d[:, 2:] + eps) * 5], axis=1)


def find_iou(a, b):
    lt = jnp.maximum(a[:, None, :2], b[None, :, :2])
    rb = jnp.minimum(a[:, None, 2:], b[None, :, 2:])
    wh = jnp.clip(rb - lt, 0.0)
    inter = wh[..., 0] * wh[..., 1]
    area_a = (a[:, 2] - a[:, 0]) * (a[:, 3] - a[:, 1])
    area_b = (b[:, 2] - b[:, 0]) * (b[:, 3] - b[:, 1])
    return inter / (area_a[:, None] + area_b[None, :] - inter)


def setup_inputs(seed: int = 0):
    key = jax.random.key(seed)
    B, ND, NC, NOBJ = 32, 24564, 21, 16
    ks = jax.random.split(key, 6)
    locs_pred = jax.random.normal(ks[0], (B, ND, 4), dtype=jnp.float32)
    cls_pred = jax.random.normal(ks[1], (B, ND, NC), dtype=jnp.float32)
    raw = jax.random.uniform(ks[2], (B, NOBJ, 4), dtype=jnp.float32)
    cxy = 0.1 + 0.8 * raw[..., :2]
    wh = 0.05 + 0.25 * raw[..., 2:]
    boxes = jnp.concatenate([cxy - wh / 2, cxy + wh / 2], axis=-1)
    labels = jax.random.randint(ks[3], (B, NOBJ), 1, NC)
    rawd = jax.random.uniform(ks[4], (ND, 4), dtype=jnp.float32)
    default_boxes = jnp.concatenate([0.05 + 0.9 * rawd[:, :2], 0.05 + 0.4 * rawd[:, 2:]], axis=1)
    return {"locs_pred": locs_pred, "cls_pred": cls_pred, "boxes": boxes,
            "labels": labels, "default_boxes": default_boxes}


def reference(locs_pred, cls_pred, boxes, labels, default_boxes):
    def_xy = cxcy2xy(default_boxes)
    n_def = default_boxes.shape[0]

    def match_one(boxes_i, labels_i):
        n_obj = boxes_i.shape[0]
        overlap = find_iou(boxes_i, def_xy)
        overlap_defbox = jnp.max(overlap, axis=0)
        object_defbox = jnp.argmax(overlap, axis=0)
        defbox_object = jnp.argmax(overlap, axis=1)
        object_defbox = object_defbox.at[defbox_object].set(jnp.arange(n_obj))
        overlap_defbox = overlap_defbox.at[defbox_object].set(1.0)
        label_defbox = labels_i[object_defbox]
        label_defbox = jnp.where(overlap_defbox < THRESHOLD, 0, label_defbox)
        t_locs_i = encode_boxes(xy2cxcy(boxes_i[object_defbox]), default_boxes)
        return label_defbox, t_locs_i

    t_classes, t_locs = jax.vmap(match_one)(boxes, labels)

    pos = t_classes != 0
    n_positive = jnp.sum(pos, axis=1)
    n_pos_total = jnp.sum(n_positive)

    d = locs_pred - t_locs
    ad = jnp.abs(d)
    sl1 = jnp.where(ad < 1.0, 0.5 * d * d, ad - 0.5)
    loc_loss = jnp.sum(sl1 * pos[..., None].astype(sl1.dtype)) / jnp.maximum(
        n_pos_total.astype(jnp.float32) * 4.0, 1.0)

    logp = jax.nn.log_softmax(cls_pred, axis=-1)
    all_conf = -jnp.take_along_axis(logp, t_classes[..., None], axis=-1)[..., 0]
    pos_sum = jnp.sum(jnp.where(pos, all_conf, 0.0))
    neg_conf = jnp.where(pos, 0.0, all_conf)
    neg_sorted = -jnp.sort(-neg_conf, axis=1)
    ranks = jnp.arange(n_def)[None, :]
    hard = ranks < (NEG_POS * n_positive)[:, None]
    neg_sum = jnp.sum(jnp.where(hard, neg_sorted, 0.0))
    conf_loss = (neg_sum + pos_sum) / jnp.maximum(n_pos_total.astype(jnp.float32), 1.0)

    return ALPHA * loc_loss + conf_loss

if __name__ == "__main__":
    import jax
    _d = setup_inputs()
    print(jax.jit(kernel)(*tuple(_d.values())))

</pallas_src>

<mosaic_0001>
#map = affine_map<(d0, d1) -> (0, 0)>
module attributes {stable_mosaic.version = 14 : i64} {
  func.func @body(%arg0: i32, %arg1: i32, %arg2: memref<256x24576xf32, #tpu.memory_space<hbm>>, %arg3: memref<32x16xf32, #tpu.memory_space<hbm>>, %arg4: memref<24576xf32, #tpu.memory_space<vmem>>, %arg5: memref<24576xf32, #tpu.memory_space<vmem>>, %arg6: memref<24576xi32, #tpu.memory_space<vmem>>, %arg7: memref<16xf32, #tpu.memory_space<vmem>>) attributes {dimension_semantics = [#tpu.dimension_semantics<core_parallel>, #tpu.dimension_semantics<subcore_parallel>], iteration_bounds = array<i64: 2, 16>, scalar_prefetch = 0 : i64, scratch_operands = 4 : i64, tpu.core_type = #tpu.core_type<sc_vector_subcore>, window_params = [{transform_indices = #map}, {transform_indices = #map}]} {
    %mul3A = arith.constant 2 : i32
    %mul3A_0 = arith.muli %arg1, %mul3A : i32
    %add3A = arith.addi %mul3A_0, %arg0 : i32
    %mul3A_1 = arith.constant 8 : i32
    %mul3A_2 = arith.muli %mul3A_1, %add3A : i32
    "tpu.region"() ({
      %run_scoped3A = tpu.sem_alloc : memref<!tpu.dma_semaphore, #tpu.memory_space<semaphore_mem>>
      %dma_start3A = arith.constant 0 : i32
      %dma_start3A_244 = tpu.memref_slice %arg2[%mul3A_2, %dma_start3A] : memref<256x24576xf32, #tpu.memory_space<hbm>> -> memref<1x24576xf32, #tpu.memory_space<hbm>>
      %dma_start3A_245 = tpu.memref_squeeze %dma_start3A_244 : memref<1x24576xf32, #tpu.memory_space<hbm>> -> memref<24576xf32, #tpu.memory_space<hbm>>
      %dma_start3A_246 = arith.constant 0 : i32
      %dma_start3A_247 = tpu.memref_slice %arg2[%mul3A_2, %dma_start3A_246] : memref<256x24576xf32, #tpu.memory_space<hbm>> -> memref<1x24576xf32, #tpu.memory_space<hbm>>
      %dma_start3A_248 = tpu.memref_squeeze %dma_start3A_247 : memref<1x24576xf32, #tpu.memory_space<hbm>> -> memref<24576xf32, #tpu.memory_space<hbm>>
      tpu.enqueue_dma source(%dma_start3A_248 : memref<24576xf32, #tpu.memory_space<hbm>>) target(%arg4 : memref<24576xf32, #tpu.memory_space<vmem>>) target_semaphore(%run_scoped3A : memref<!tpu.dma_semaphore, #tpu.memory_space<semaphore_mem>>)
      %dma_wait3A = arith.constant 0 : i32
      %dma_wait3A_249 = tpu.memref_slice %arg2[%mul3A_2, %dma_wait3A] : memref<256x24576xf32, #tpu.memory_space<hbm>> -> memref<1x24576xf32, #tpu.memory_space<hbm>>
      %dma_wait3A_250 = tpu.memref_squeeze %dma_wait3A_249 : memref<1x24576xf32, #tpu.memory_space<hbm>> -> memref<24576xf32, #tpu.memory_space<hbm>>
      %dma_wait3A_251 = arith.constant 0 : i32
      %dma_wait3A_252 = tpu.memref_slice %arg2[%mul3A_2, %dma_wait3A_251] : memref<256x24576xf32, #tpu.memory_space<hbm>> -> memref<1x24576xf32, #tpu.memory_space<hbm>>
      %dma_wait3A_253 = tpu.memref_squeeze %dma_wait3A_252 : memref<1x24576xf32, #tpu.memory_space<hbm>> -> memref<24576xf32, #tpu.memory_space<hbm>>
      tpu.wait_dma2 semaphore(%run_scoped3A : memref<!tpu.dma_semaphore, #tpu.memory_space<semaphore_mem>>) src(%dma_wait3A_253 : memref<24576xf32, #tpu.memory_space<hbm>>) dst(%arg4 : memref<24576xf32, #tpu.memory_space<vmem>>)
      tpu.yield
    }) : () -> ()
    %mul3A_3 = arith.constant 8 : i32
    %mul3A_4 = arith.muli %mul3A_3, %add3A : i32
    %add3A_5 = arith.constant 1 : i32
    %add3A_6 = arith.addi %mul3A_4, %add3A_5 : i32
    "tpu.region"() ({
      %run_scoped3A = tpu.sem_alloc : memref<!tpu.dma_semaphore, #tpu.memory_space<semaphore_mem>>
      %dma_start3A = arith.constant 0 : i32
      %dma_start3A_244 = tpu.memref_slice %arg2[%add3A_6, %dma_start3A] : memref<256x24576xf32, #tpu.memory_space<hbm>> -> memref<1x24576xf32, #tpu.memory_space<hbm>>
      %dma_start3A_245 = tpu.memref_squeeze %dma_start3A_244 : memref<1x24576xf32, #tpu.memory_space<hbm>> -> memref<24576xf32, #tpu.memory_space<hbm>>
      %dma_start3A_246 = arith.constant 0 : i32
      %dma_start3A_247 = tpu.memref_slice %arg2[%add3A_6, %dma_start3A_246] : memref<256x24576xf32, #tpu.memory_space<hbm>> -> memref<1x24576xf32, #tpu.memory_space<hbm>>
      %dma_start3A_248 = tpu.memref_squeeze %dma_start3A_247 : memref<1x24576xf32, #tpu.memory_space<hbm>> -> memref<24576xf32, #tpu.memory_space<hbm>>
      tpu.enqueue_dma source(%dma_start3A_248 : memref<24576xf32, #tpu.memory_space<hbm>>) target(%arg5 : memref<24576xf32, #tpu.memory_space<vmem>>) target_semaphore(%run_scoped3A : memref<!tpu.dma_semaphore, #tpu.memory_space<semaphore_mem>>)
      %dma_wait3A = arith.constant 0 : i32
      %dma_wait3A_249 = tpu.memref_slice %arg2[%add3A_6, %dma_wait3A] : memref<256x24576xf32, #tpu.memory_space<hbm>> -> memref<1x24576xf32, #tpu.memory_space<hbm>>
      %dma_wait3A_250 = tpu.memref_squeeze %dma_wait3A_249 : memref<1x24576xf32, #tpu.memory_space<hbm>> -> memref<24576xf32, #tpu.memory_space<hbm>>
      %dma_wait3A_251 = arith.constant 0 : i32
      %dma_wait3A_252 = tpu.memref_slice %arg2[%add3A_6, %dma_wait3A_251] : memref<256x24576xf32, #tpu.memory_space<hbm>> -> memref<1x24576xf32, #tpu.memory_space<hbm>>
      %dma_wait3A_253 = tpu.memref_squeeze %dma_wait3A_252 : memref<1x24576xf32, #tpu.memory_space<hbm>> -> memref<24576xf32, #tpu.memory_space<hbm>>
      tpu.wait_dma2 semaphore(%run_scoped3A : memref<!tpu.dma_semaphore, #tpu.memory_space<semaphore_mem>>) src(%dma_wait3A_253 : memref<24576xf32, #tpu.memory_space<hbm>>) dst(%arg5 : memref<24576xf32, #tpu.memory_space<vmem>>)
      tpu.yield
    }) : () -> ()
    %broadcast_in_dim3A = arith.constant 0.000000e+00 : f32
    %broadcast_in_dim3A_7 = vector.broadcast %broadcast_in_dim3A : f32 to vector<16xf32>
    %scan3A = arith.constant 0 : i32
    %scan3A_8 = arith.constant 192 : i32
    %scan3A_9 = arith.addi %scan3A, %scan3A_8 : i32
    %scan3A_10 = arith.constant 1 : i32
    %scan3A_11:2 = scf.for %scan3A_244 = %scan3A to %scan3A_9 step %scan3A_10 iter_args(%scan3A_245 = %broadcast_in_dim3A_7, %scan3A_246 = %broadcast_in_dim3A_7) -> (vector<16xf32>, vector<16xf32>)  : i32 {
      %mul3A_247 = arith.constant 128 : i32
      %mul3A_248 = arith.muli %scan3A_244, %mul3A_247 : i32
      %add3A_249 = arith.constant 0 : i32
      %add3A_250 = arith.addi %mul3A_248, %add3A_249 : i32
      %get3A = arith.index_cast %add3A_250 : i32 to index
      %get3A_251 = tpu.vector_load %arg4[%get3A] {strides = array<i32>} : memref<24576xf32, #tpu.memory_space<vmem>>, vector<16xf32>,
      %get3A_252 = vector.shape_cast %get3A_251 : vector<16xf32> to vector<16xf32>
      %get3A_253 = arith.index_cast %add3A_250 : i32 to index
      %get3A_254 = tpu.vector_load %arg5[%get3A_253] {strides = array<i32>} : memref<24576xf32, #tpu.memory_space<vmem>>, vector<16xf32>,
      %get3A_255 = vector.shape_cast %get3A_254 : vector<16xf32> to vector<16xf32>
      %sub3A_256 = arith.constant 1.000000e+00 : f32
      %sub3A_257 = vector.broadcast %sub3A_256 : f32 to vector<16xf32>
      %sub3A_258 = arith.subf %sub3A_257, %get3A_255 : vector<16xf32>
      %mul3A_259 = arith.mulf %get3A_252, %sub3A_258 : vector<16xf32>
      %bitcast_convert_type3A_260 = tpu.bitcast %mul3A_259 : vector<16xf32> -> vector<16xi32>
      %swap3A_261 = arith.index_cast %add3A_250 : i32 to index
      %swap3A_262 = tpu.vector_load %arg6[%swap3A_261] {strides = array<i32>} : memref<24576xi32, #tpu.memory_space<vmem>>, vector<16xi32>,
      %swap3A_263 = vector.shape_cast %swap3A_262 : vector<16xi32> to vector<16xi32>
      %swap3A_264 = vector.shape_cast %bitcast_convert_type3A_260 : vector<16xi32> to vector<16xi32>
      tpu.vector_store %arg6[%swap3A_261], %swap3A_264 {strides = array<i32>} : memref<24576xi32, #tpu.memory_space<vmem>>, vector<16xi32>,
      %add3A_265 = arith.addf %scan3A_245, %get3A_255 : vector<16xf32>
      %mul3A_266 = arith.mulf %get3A_252, %get3A_255 : vector<16xf32>
      %add3A_267 = arith.addf %scan3A_246, %mul3A_266 : vector<16xf32>
      %mul3A_268 = arith.constant 128 : i32
      %mul3A_269 = arith.muli %scan3A_244, %mul3A_268 : i32
      %add3A_270 = arith.constant 16 : i32
      %add3A_271 = arith.addi %mul3A_269, %add3A_270 : i32
      %get3A_272 = arith.index_cast %add3A_271 : i32 to index
      %get3A_273 = tpu.vector_load %arg4[%get3A_272] {strides = array<i32>} : memref<24576xf32, #tpu.memory_space<vmem>>, vector<16xf32>,
      %get3A_274 = vector.shape_cast %get3A_273 : vector<16xf32> to vector<16xf32>
      %get3A_275 = arith.index_cast %add3A_271 : i32 to index
      %get3A_276 = tpu.vector_load %arg5[%get3A_275] {strides = array<i32>} : memref<24576xf32, #tpu.memory_space<vmem>>, vector<16xf32>,
      %get3A_277 = vector.shape_cast %get3A_276 : vector<16xf32> to vector<16xf32>
      %sub3A_278 = arith.constant 1.000000e+00 : f32
      %sub3A_279 = vector.broadcast %sub3A_278 : f32 to vector<16xf32>
      %sub3A_280 = arith.subf %sub3A_279, %get3A_277 : vector<16xf32>
      %mul3A_281 = arith.mulf %get3A_274, %sub3A_280 : vector<16xf32>
      %bitcast_convert_type3A_282 = tpu.bitcast %mul3A_281 : vector<16xf32> -> vector<16xi32>
      %swap3A_283 = arith.index_cast %add3A_271 : i32 to index
      %swap3A_284 = tpu.vector_load %arg6[%swap3A_283] {strides = array<i32>} : memref<24576xi32, #tpu.memory_space<vmem>>, vector<16xi32>,
      %swap3A_285 = vector.shape_cast %swap3A_284 : vector<16xi32> to vector<16xi32>
      %swap3A_286 = vector.shape_cast %bitcast_convert_type3A_282 : vector<16xi32> to vector<16xi32>
      tpu.vector_store %arg6[%swap3A_283], %swap3A_286 {strides = array<i32>} : memref<24576xi32, #tpu.memory_space<vmem>>, vector<16xi32>,
      %add3A_287 = arith.addf %add3A_265, %get3A_277 : vector<16xf32>
      %mul3A_288 = arith.mulf %get3A_274, %get3A_277 : vector<16xf32>
      %add3A_289 = arith.addf %add3A_267, %mul3A_288 : vector<16xf32>
      %mul3A_290 = arith.constant 128 : i32
      %mul3A_291 = arith.muli %scan3A_244, %mul3A_290 : i32
      %add3A_292 = arith.constant 32 : i32
      %add3A_293 = arith.addi %mul3A_291, %add3A_292 : i32
      %get3A_294 = arith.index_cast %add3A_293 : i32 to index
      %get3A_295 = tpu.vector_load %arg4[%get3A_294] {strides = array<i32>} : memref<24576xf32, #tpu.memory_space<vmem>>, vector<16xf32>,
      %get3A_296 = vector.shape_cast %get3A_295 : vector<16xf32> to vector<16xf32>
      %get3A_297 = arith.index_cast %add3A_293 : i32 to index
      %get3A_298 = tpu.vector_load %arg5[%get3A_297] {strides = array<i32>} : memref<24576xf32, #tpu.memory_space<vmem>>, vector<16xf32>,
      %get3A_299 = vector.shape_cast %get3A_298 : vector<16xf32> to vector<16xf32>
      %sub3A_300 = arith.constant 1.000000e+00 : f32
      %sub3A_301 = vector.broadcast %sub3A_300 : f32 to vector<16xf32>
      %sub3A_302 = arith.subf %sub3A_301, %get3A_299 : vector<16xf32>
      %mul3A_303 = arith.mulf %get3A_296, %sub3A_302 : vector<16xf32>
      %bitcast_convert_type3A_304 = tpu.bitcast %mul3A_303 : vector<16xf32> -> vector<16xi32>
      %swap3A_305 = arith.index_cast %add3A_293 : i32 to index
      %swap3A_306 = tpu.vector_load %arg6[%swap3A_305] {strides = array<i32>} : memref<24576xi32, #tpu.memory_space<vmem>>, vector<16xi32>,
      %swap3A_307 = vector.shape_cast %swap3A_306 : vector<16xi32> to vector<16xi32>
      %swap3A_308 = vector.shape_cast %bitcast_convert_type3A_304 : vector<16xi32> to vector<16xi32>
      tpu.vector_store %arg6[%swap3A_305], %swap3A_308 {strides = array<i32>} : memref<24576xi32, #tpu.memory_space<vmem>>, vector<16xi32>,
      %add3A_309 = arith.addf %add3A_287, %get3A_299 : vector<16xf32>
      %mul3A_310 = arith.mulf %get3A_296, %get3A_299 : vector<16xf32>
      %add3A_311 = arith.addf %add3A_289, %mul3A_310 : vector<16xf32>
      %mul3A_312 = arith.constant 128 : i32
      %mul3A_313 = arith.muli %scan3A_244, %mul3A_312 : i32
      %add3A_314 = arith.constant 48 : i32
      %add3A_315 = arith.addi %mul3A_313, %add3A_314 : i32
      %get3A_316 = arith.index_cast %add3A_315 : i32 to index
      %get3A_317 = tpu.vector_load %arg4[%get3A_316] {strides = array<i32>} : memref<24576xf32, #tpu.memory_space<vmem>>, vector<16xf32>,
      %get3A_318 = vector.shape_cast %get3A_317 : vector<16xf32> to vector<16xf32>
      %get3A_319 = arith.index_cast %add3A_315 : i32 to index
      %get3A_320 = tpu.vector_load %arg5[%get3A_319] {strides = array<i32>} : memref<24576xf32, #tpu.memory_space<vmem>>, vector<16xf32>,
      %get3A_321 = vector.shape_cast %get3A_320 : vector<16xf32> to vector<16xf32>
      %sub3A_322 = arith.constant 1.000000e+00 : f32
      %sub3A_323 = vector.broadcast %sub3A_322 : f32 to vector<16xf32>
      %sub3A_324 = arith.subf %sub3A_323, %get3A_321 : vector<16xf32>
      %mul3A_325 = arith.mulf %get3A_318, %sub3A_324 : vector<16xf32>
      %bitcast_convert_type3A_326 = tpu.bitcast %mul3A_325 : vector<16xf32> -> vector<16xi32>
      %swap3A_327 = arith.index_cast %add3A_315 : i32 to index
      %swap3A_328 = tpu.vector_load %arg6[%swap3A_327] {strides = array<i32>} : memref<24576xi32, #tpu.memory_space<vmem>>, vector<16xi32>,
      %swap3A_329 = vector.shape_cast %swap3A_328 : vector<16xi32> to vector<16xi32>
      %swap3A_330 = vector.shape_cast %bitcast_convert_type3A_326 : vector<16xi32> to vector<16xi32>
      tpu.vector_store %arg6[%swap3A_327], %swap3A_330 {strides = array<i32>} : memref<24576xi32, #tpu.memory_space<vmem>>, vector<16xi32>,
      %add3A_331 = arith.addf %add3A_309, %get3A_321 : vector<16xf32>
      %mul3A_332 = arith.mulf %get3A_318, %get3A_321 : vector<16xf32>
      %add3A_333 = arith.addf %add3A_311, %mul3A_332 : vector<16xf32>
      %mul3A_334 = arith.constant 128 : i32
      %mul3A_335 = arith.muli %scan3A_244, %mul3A_334 : i32
      %add3A_336 = arith.constant 64 : i32
      %add3A_337 = arith.addi %mul3A_335, %add3A_336 : i32
      %get3A_338 = arith.index_cast %add3A_337 : i32 to index
      %get3A_339 = tpu.vector_load %arg4[%get3A_338] {strides = array<i32>} : memref<24576xf32, #tpu.memory_space<vmem>>, vector<16xf32>,
      %get3A_340 = vector.shape_cast %get3A_339 : vector<16xf32> to vector<16xf32>
      %get3A_341 = arith.index_cast %add3A_337 : i32 to index
      %get3A_342 = tpu.vector_load %arg5[%get3A_341] {strides = array<i32>} : memref<24576xf32, #tpu.memory_space<vmem>>, vector<16xf32>,
      %get3A_343 = vector.shape_cast %get3A_342 : vector<16xf32> to vector<16xf32>
      %sub3A_344 = arith.constant 1.000000e+00 : f32
      %sub3A_345 = vector.broadcast %sub3A_344 : f32 to vector<16xf32>
      %sub3A_346 = arith.subf %sub3A_345, %get3A_343 : vector<16xf32>
      %mul3A_347 = arith.mulf %get3A_340, %sub3A_346 : vector<16xf32>
      %bitcast_convert_type3A_348 = tpu.bitcast %mul3A_347 : vector<16xf32> -> vector<16xi32>
      %swap3A_349 = arith.index_cast %add3A_337 : i32 to index
      %swap3A_350 = tpu.vector_load %arg6[%swap3A_349] {strides = array<i32>} : memref<24576xi32, #tpu.memory_space<vmem>>, vector<16xi32>,
      %swap3A_351 = vector.shape_cast %swap3A_350 : vector<16xi32> to vector<16xi32>
      %swap3A_352 = vector.shape_cast %bitcast_convert_type3A_348 : vector<16xi32> to vector<16xi32>
      tpu.vector_store %arg6[%swap3A_349], %swap3A_352 {strides = array<i32>} : memref<24576xi32, #tpu.memory_space<vmem>>, vector<16xi32>,
      %add3A_353 = arith.addf %add3A_331, %get3A_343 : vector<16xf32>
      %mul3A_354 = arith.mulf %get3A_340, %get3A_343 : vector<16xf32>
      %add3A_355 = arith.addf %add3A_333, %mul3A_354 : vector<16xf32>
      %mul3A_356 = arith.constant 128 : i32
      %mul3A_357 = arith.muli %scan3A_244, %mul3A_356 : i32
      %add3A_358 = arith.constant 80 : i32
      %add3A_359 = arith.addi %mul3A_357, %add3A_358 : i32
      %get3A_360 = arith.index_cast %add3A_359 : i32 to index
      %get3A_361 = tpu.vector_load %arg4[%get3A_360] {strides = array<i32>} : memref<24576xf32, #tpu.memory_space<vmem>>, vector<16xf32>,
      %get3A_362 = vector.shape_cast %get3A_361 : vector<16xf32> to vector<16xf32>
      %get3A_363 = arith.index_cast %add3A_359 : i32 to index
      %get3A_364 = tpu.vector_load %arg5[%get3A_363] {strides = array<i32>} : memref<24576xf32, #tpu.memory_space<vmem>>, vector<16xf32>,
      %get3A_365 = vector.shape_cast %get3A_364 : vector<16xf32> to vector<16xf32>
      %sub3A_366 = arith.constant 1.000000e+00 : f32
      %sub3A_367 = vector.broadcast %sub3A_366 : f32 to vector<16xf32>
      %sub3A_368 = arith.subf %sub3A_367, %get3A_365 : vector<16xf32>
      %mul3A_369 = arith.mulf %get3A_362, %sub3A_368 : vector<16xf32>
      %bitcast_convert_type3A_370 = tpu.bitcast %mul3A_369 : vector<16xf32> -> vector<16xi32>
      %swap3A_371 = arith.index_cast %add3A_359 : i32 to index
      %swap3A_372 = tpu.vector_load %arg6[%swap3A_371] {strides = array<i32>} : memref<24576xi32, #tpu.memory_space<vmem>>, vector<16xi32>,
      %swap3A_373 = vector.shape_cast %swap3A_372 : vector<16xi32> to vector<16xi32>
      %swap3A_374 = vector.shape_cast %bitcast_convert_type3A_370 : vector<16xi32> to vector<16xi32>
      tpu.vector_store %arg6[%swap3A_371], %swap3A_374 {strides = array<i32>} : memref<24576xi32, #tpu.memory_space<vmem>>, vector<16xi32>,
      %add3A_375 = arith.addf %add3A_353, %get3A_365 : vector<16xf32>
      %mul3A_376 = arith.mulf %get3A_362, %get3A_365 : vector<16xf32>
      %add3A_377 = arith.addf %add3A_355, %mul3A_376 : vector<16xf32>
      %mul3A_378 = arith.constant 128 : i32
      %mul3A_379 = arith.muli %scan3A_244, %mul3A_378 : i32
      %add3A_380 = arith.constant 96 : i32
      %add3A_381 = arith.addi %mul3A_379, %add3A_380 : i32
      %get3A_382 = arith.index_cast %add3A_381 : i32 to index
      %get3A_383 = tpu.vector_load %arg4[%get3A_382] {strides = array<i32>} : memref<24576xf32, #tpu.memory_space<vmem>>, vector<16xf32>,
      %get3A_384 = vector.shape_cast %get3A_383 : vector<16xf32> to vector<16xf32>
      %get3A_385 = arith.index_cast %add3A_381 : i32 to index
      %get3A_386 = tpu.vector_load %arg5[%get3A_385] {strides = array<i32>} : memref<24576xf32, #tpu.memory_space<vmem>>, vector<16xf32>,
      %get3A_387 = vector.shape_cast %get3A_386 : vector<16xf32> to vector<16xf32>
      %sub3A_388 = arith.constant 1.000000e+00 : f32
      %sub3A_389 = vector.broadcast %sub3A_388 : f32 to vector<16xf32>
      %sub3A_390 = arith.subf %sub3A_389, %get3A_387 : vector<16xf32>
      %mul3A_391 = arith.mulf %get3A_384, %sub3A_390 : vector<16xf32>
      %bitcast_convert_type3A_392 = tpu.bitcast %mul3A_391 : vector<16xf32> -> vector<16xi32>
      %swap3A_393 = arith.index_cast %add3A_381 : i32 to index
      %swap3A_394 = tpu.vector_load %arg6[%swap3A_393] {strides = array<i32>} : memref<24576xi32, #tpu.memory_space<vmem>>, vector<16xi32>,
      %swap3A_395 = vector.shape_cast %swap3A_394 : vector<16xi32> to vector<16xi32>
      %swap3A_396 = vector.shape_cast %bitcast_convert_type3A_392 : vector<16xi32> to vector<16xi32>
      tpu.vector_store %arg6[%swap3A_393], %swap3A_396 {strides = array<i32>} : memref<24576xi32, #tpu.memory_space<vmem>>, vector<16xi32>,
      %add3A_397 = arith.addf %add3A_375, %get3A_387 : vector<16xf32>
      %mul3A_398 = arith.mulf %get3A_384, %get3A_387 : vector<16xf32>
      %add3A_399 = arith.addf %add3A_377, %mul3A_398 : vector<16xf32>
      %mul3A_400 = arith.constant 128 : i32
      %mul3A_401 = arith.muli %scan3A_244, %mul3A_400 : i32
      %add3A_402 = arith.constant 112 : i32
      %add3A_403 = arith.addi %mul3A_401, %add3A_402 : i32
      %get3A_404 = arith.index_cast %add3A_403 : i32 to index
      %get3A_405 = tpu.vector_load %arg4[%get3A_404] {strides = array<i32>} : memref<24576xf32, #tpu.memory_space<vmem>>, vector<16xf32>,
      %get3A_406 = vector.shape_cast %get3A_405 : vector<16xf32> to vector<16xf32>
      %get3A_407 = arith.index_cast %add3A_403 : i32 to index
      %get3A_408 = tpu.vector_load %arg5[%get3A_407] {strides = array<i32>} : memref<24576xf32, #tpu.memory_space<vmem>>, vector<16xf32>,
      %get3A_409 = vector.shape_cast %get3A_408 : vector<16xf32> to vector<16xf32>
      %sub3A_410 = arith.constant 1.000000e+00 : f32
      %sub3A_411 = vector.broadcast %sub3A_410 : f32 to vector<16xf32>
      %sub3A_412 = arith.subf %sub3A_411, %get3A_409 : vector<16xf32>
      %mul3A_413 = arith.mulf %get3A_406, %sub3A_412 : vector<16xf32>
      %bitcast_convert_type3A_414 = tpu.bitcast %mul3A_413 : vector<16xf32> -> vector<16xi32>
      %swap3A_415 = arith.index_cast %add3A_403 : i32 to index
      %swap3A_416 = tpu.vector_load %arg6[%swap3A_415] {strides = array<i32>} : memref<24576xi32, #tpu.memory_space<vmem>>, vector<16xi32>,
      %swap3A_417 = vector.shape_cast %swap3A_416 : vector<16xi32> to vector<16xi32>
      %swap3A_418 = vector.shape_cast %bitcast_convert_type3A_414 : vector<16xi32> to vector<16xi32>
      tpu.vector_store %arg6[%swap3A_415], %swap3A_418 {strides = array<i32>} : memref<24576xi32, #tpu.memory_space<vmem>>, vector<16xi32>,
      %add3A_419 = arith.addf %add3A_397, %get3A_409 : vector<16xf32>
      %mul3A_420 = arith.mulf %get3A_406, %get3A_409 : vector<16xf32>
      %add3A_421 = arith.addf %add3A_399, %mul3A_420 : vector<16xf32>
      scf.yield %add3A_419, %add3A_421 : vector<16xf32>, vector<16xf32>
    }
    %scan3A_12 = arith.constant 192 : i32
    %slice3A = vector.extract_strided_slice %scan3A_11#0 {offsets = [0], sizes = [1], strides = [1]} : vector<16xf32> to vector<1xf32>
    %squeeze3A = vector.extract %slice3A[0] : f32 from vector<1xf32>
    %slice3A_13 = vector.extract_strided_slice %scan3A_11#0 {offsets = [1], sizes = [1], strides = [1]} : vector<16xf32> to vector<1xf32>
    %squeeze3A_14 = vector.extract %slice3A_13[0] : f32 from vector<1xf32>
    %add3A_15 = arith.addf %squeeze3A, %squeeze3A_14 : f32
    %slice3A_16 = vector.extract_strided_slice %scan3A_11#0 {offsets = [2], sizes = [1], strides = [1]} : vector<16xf32> to vector<1xf32>
    %squeeze3A_17 = vector.extract %slice3A_16[0] : f32 from vector<1xf32>
    %add3A_18 = arith.addf %add3A_15, %squeeze3A_17 : f32
    %slice3A_19 = vector.extract_strided_slice %scan3A_11#0 {offsets = [3], sizes = [1], strides = [1]} : vector<16xf32> to vector<1xf32>
    %squeeze3A_20 = vector.extract %slice3A_19[0] : f32 from vector<1xf32>
    %add3A_21 = arith.addf %add3A_18, %squeeze3A_20 : f32
    %slice3A_22 = vector.extract_strided_slice %scan3A_11#0 {offsets = [4], sizes = [1], strides = [1]} : vector<16xf32> to vector<1xf32>
    %squeeze3A_23 = vector.extract %slice3A_22[0] : f32 from vector<1xf32>
    %add3A_24 = arith.addf %add3A_21, %squeeze3A_23 : f32
    %slice3A_25 = vector.extract_strided_slice %scan3A_11#0 {offsets = [5], sizes = [1], strides = [1]} : vector<16xf32> to vector<1xf32>
    %squeeze3A_26 = vector.extract %slice3A_25[0] : f32 from vector<1xf32>
    %add3A_27 = arith.addf %add3A_24, %squeeze3A_26 : f32
    %slice3A_28 = vector.extract_strided_slice %scan3A_11#0 {offsets = [6], sizes = [1], strides = [1]} : vector<16xf32> to vector<1xf32>
    %squeeze3A_29 = vector.extract %slice3A_28[0] : f32 from vector<1xf32>
    %add3A_30 = arith.addf %add3A_27, %squeeze3A_29 : f32
    %slice3A_31 = vector.extract_strided_slice %scan3A_11#0 {offsets = [7], sizes = [1], strides = [1]} : vector<16xf32> to vector<1xf32>
    %squeeze3A_32 = vector.extract %slice3A_31[0] : f32 from vector<1xf32>
    %add3A_33 = arith.addf %add3A_30, %squeeze3A_32 : f32
    %slice3A_34 = vector.extract_strided_slice %scan3A_11#0 {offsets = [8], sizes = [1], strides = [1]} : vector<16xf32> to vector<1xf32>
    %squeeze3A_35 = vector.extract %slice3A_34[0] : f32 from vector<1xf32>
    %add3A_36 = arith.addf %add3A_33, %squeeze3A_35 : f32
    %slice3A_37 = vector.extract_strided_slice %scan3A_11#0 {offsets = [9], sizes = [1], strides = [1]} : vector<16xf32> to vector<1xf32>
    %squeeze3A_38 = vector.extract %slice3A_37[0] : f32 from vector<1xf32>
    %add3A_39 = arith.addf %add3A_36, %squeeze3A_38 : f32
    %slice3A_40 = vector.extract_strided_slice %scan3A_11#0 {offsets = [10], sizes = [1], strides = [1]} : vector<16xf32> to vector<1xf32>
    %squeeze3A_41 = vector.extract %slice3A_40[0] : f32 from vector<1xf32>
    %add3A_42 = arith.addf %add3A_39, %squeeze3A_41 : f32
    %slice3A_43 = vector.extract_strided_slice %scan3A_11#0 {offsets = [11], sizes = [1], strides = [1]} : vector<16xf32> to vector<1xf32>
    %squeeze3A_44 = vector.extract %slice3A_43[0] : f32 from vector<1xf32>
    %add3A_45 = arith.addf %add3A_42, %squeeze3A_44 : f32
    %slice3A_46 = vector.extract_strided_slice %scan3A_11#0 {offsets = [12], sizes = [1], strides = [1]} : vector<16xf32> to vector<1xf32>
    %squeeze3A_47 = vector.extract %slice3A_46[0] : f32 from vector<1xf32>
    %add3A_48 = arith.addf %add3A_45, %squeeze3A_47 : f32
    %slice3A_49 = vector.extract_strided_slice %scan3A_11#0 {offsets = [13], sizes = [1], strides = [1]} : vector<16xf32> to vector<1xf32>
    %squeeze3A_50 = vector.extract %slice3A_49[0] : f32 from vector<1xf32>
    %add3A_51 = arith.addf %add3A_48, %squeeze3A_50 : f32
    %slice3A_52 = vector.extract_strided_slice %scan3A_11#0 {offsets = [14], sizes = [1], strides = [1]} : vector<16xf32> to vector<1xf32>
    %squeeze3A_53 = vector.extract %slice3A_52[0] : f32 from vector<1xf32>
    %add3A_54 = arith.addf %add3A_51, %squeeze3A_53 : f32
    %slice3A_55 = vector.extract_strided_slice %scan3A_11#0 {offsets = [15], sizes = [1], strides = [1]} : vector<16xf32> to vector<1xf32>
    %squeeze3A_56 = vector.extract %slice3A_55[0] : f32 from vector<1xf32>
    %add3A_57 = arith.addf %add3A_54, %squeeze3A_56 : f32
    %slice3A_58 = vector.extract_strided_slice %scan3A_11#1 {offsets = [0], sizes = [1], strides = [1]} : vector<16xf32> to vector<1xf32>
    %squeeze3A_59 = vector.extract %slice3A_58[0] : f32 from vector<1xf32>
    %slice3A_60 = vector.extract_strided_slice %scan3A_11#1 {offsets = [1], sizes = [1], strides = [1]} : vector<16xf32> to vector<1xf32>
    %squeeze3A_61 = vector.extract %slice3A_60[0] : f32 from vector<1xf32>
    %add3A_62 = arith.addf %squeeze3A_59, %squeeze3A_61 : f32
    %slice3A_63 = vector.extract_strided_slice %scan3A_11#1 {offsets = [2], sizes = [1], strides = [1]} : vector<16xf32> to vector<1xf32>
    %squeeze3A_64 = vector.extract %slice3A_63[0] : f32 from vector<1xf32>
    %add3A_65 = arith.addf %add3A_62, %squeeze3A_64 : f32
    %slice3A_66 = vector.extract_strided_slice %scan3A_11#1 {offsets = [3], sizes = [1], strides = [1]} : vector<16xf32> to vector<1xf32>
    %squeeze3A_67 = vector.extract %slice3A_66[0] : f32 from vector<1xf32>
    %add3A_68 = arith.addf %add3A_65, %squeeze3A_67 : f32
    %slice3A_69 = vector.extract_strided_slice %scan3A_11#1 {offsets = [4], sizes = [1], strides = [1]} : vector<16xf32> to vector<1xf32>
    %squeeze3A_70 = vector.extract %slice3A_69[0] : f32 from vector<1xf32>
    %add3A_71 = arith.addf %add3A_68, %squeeze3A_70 : f32
    %slice3A_72 = vector.extract_strided_slice %scan3A_11#1 {offsets = [5], sizes = [1], strides = [1]} : vector<16xf32> to vector<1xf32>
    %squeeze3A_73 = vector.extract %slice3A_72[0] : f32 from vector<1xf32>
    %add3A_74 = arith.addf %add3A_71, %squeeze3A_73 : f32
    %slice3A_75 = vector.extract_strided_slice %scan3A_11#1 {offsets = [6], sizes = [1], strides = [1]} : vector<16xf32> to vector<1xf32>
    %squeeze3A_76 = vector.extract %slice3A_75[0] : f32 from vector<1xf32>
    %add3A_77 = arith.addf %add3A_74, %squeeze3A_76 : f32
    %slice3A_78 = vector.extract_strided_slice %scan3A_11#1 {offsets = [7], sizes = [1], strides = [1]} : vector<16xf32> to vector<1xf32>
    %squeeze3A_79 = vector.extract %slice3A_78[0] : f32 from vector<1xf32>
    %add3A_80 = arith.addf %add3A_77, %squeeze3A_79 : f32
    %slice3A_81 = vector.extract_strided_slice %scan3A_11#1 {offsets = [8], sizes = [1], strides = [1]} : vector<16xf32> to vector<1xf32>
    %squeeze3A_82 = vector.extract %slice3A_81[0] : f32 from vector<1xf32>
    %add3A_83 = arith.addf %add3A_80, %squeeze3A_82 : f32
    %slice3A_84 = vector.extract_strided_slice %scan3A_11#1 {offsets = [9], sizes = [1], strides = [1]} : vector<16xf32> to vector<1xf32>
    %squeeze3A_85 = vector.extract %slice3A_84[0] : f32 from vector<1xf32>
    %add3A_86 = arith.addf %add3A_83, %squeeze3A_85 : f32
    %slice3A_87 = vector.extract_strided_slice %scan3A_11#1 {offsets = [10], sizes = [1], strides = [1]} : vector<16xf32> to vector<1xf32>
    %squeeze3A_88 = vector.extract %slice3A_87[0] : f32 from vector<1xf32>
    %add3A_89 = arith.addf %add3A_86, %squeeze3A_88 : f32
    %slice3A_90 = vector.extract_strided_slice %scan3A_11#1 {offsets = [11], sizes = [1], strides = [1]} : vector<16xf32> to vector<1xf32>
    %squeeze3A_91 = vector.extract %slice3A_90[0] : f32 from vector<1xf32>
    %add3A_92 = arith.addf %add3A_89, %squeeze3A_91 : f32
    %slice3A_93 = vector.extract_strided_slice %scan3A_11#1 {offsets = [12], sizes = [1], strides = [1]} : vector<16xf32> to vector<1xf32>
    %squeeze3A_94 = vector.extract %slice3A_93[0] : f32 from vector<1xf32>
    %add3A_95 = arith.addf %add3A_92, %squeeze3A_94 : f32
    %slice3A_96 = vector.extract_strided_slice %scan3A_11#1 {offsets = [13], sizes = [1], strides = [1]} : vector<16xf32> to vector<1xf32>
    %squeeze3A_97 = vector.extract %slice3A_96[0] : f32 from vector<1xf32>
    %add3A_98 = arith.addf %add3A_95, %squeeze3A_97 : f32
    %slice3A_99 = vector.extract_strided_slice %scan3A_11#1 {offsets = [14], sizes = [1], strides = [1]} : vector<16xf32> to vector<1xf32>
    %squeeze3A_100 = vector.extract %slice3A_99[0] : f32 from vector<1xf32>
    %add3A_101 = arith.addf %add3A_98, %squeeze3A_100 : f32
    %slice3A_102 = vector.extract_strided_slice %scan3A_11#1 {offsets = [15], sizes = [1], strides = [1]} : vector<16xf32> to vector<1xf32>
    %squeeze3A_103 = vector.extract %slice3A_102[0] : f32 from vector<1xf32>
    %add3A_104 = arith.addf %add3A_101, %squeeze3A_103 : f32
    %convert_element_type3A = arith.fptosi %add3A_57 : f32 to i32
    %mul3A_105 = arith.constant 3 : i32
    %mul3A_106 = arith.muli %mul3A_105, %convert_element_type3A : i32
    %scan3A_107 = arith.constant 0 : i32
    %scan3A_108 = arith.constant 0 : i32
    %scan3A_109 = arith.constant 22 : i32
    %scan3A_110 = arith.addi %scan3A_108, %scan3A_109 : i32
    %scan3A_111 = arith.constant 1 : i32
    %scan3A_112 = scf.for %scan3A_244 = %scan3A_108 to %scan3A_110 step %scan3A_111 iter_args(%scan3A_245 = %scan3A_107) -> (i32)  : i32 {
      %sub3A_246 = arith.constant 30 : i32
      %sub3A_247 = arith.subi %sub3A_246, %scan3A_244 : i32
      %shift_left3A = arith.constant 1 : i32
      %shift_left3A_248 = arith.shli %shift_left3A, %sub3A_247 : i32
      %or3A = arith.ori %scan3A_245, %shift_left3A_248 : i32
      %broadcast_in_dim3A_249 = arith.constant 0 : i32
      %broadcast_in_dim3A_250 = vector.broadcast %broadcast_in_dim3A_249 : i32 to vector<16xi32>
      %scan3A_251 = arith.constant 0 : i32
      %scan3A_252 = arith.constant 192 : i32
      %scan3A_253 = arith.addi %scan3A_251, %scan3A_252 : i32
      %scan3A_254 = arith.constant 1 : i32
      %scan3A_255 = scf.for %scan3A_305 = %scan3A_251 to %scan3A_253 step %scan3A_254 iter_args(%scan3A_306 = %broadcast_in_dim3A_250) -> (vector<16xi32>)  : i32 {
        %mul3A_307 = arith.constant 128 : i32
        %mul3A_308 = arith.muli %scan3A_305, %mul3A_307 : i32
        %add3A_309 = arith.constant 0 : i32
        %add3A_310 = arith.addi %mul3A_308, %add3A_309 : i32
        %get3A = arith.index_cast %add3A_310 : i32 to index
        %get3A_311 = tpu.vector_load %arg6[%get3A] {strides = array<i32>} : memref<24576xi32, #tpu.memory_space<vmem>>, vector<16xi32>,
        %get3A_312 = vector.shape_cast %get3A_311 : vector<16xi32> to vector<16xi32>
        %ge3A_313 = vector.broadcast %or3A : i32 to vector<16xi32>
        %ge3A_314 = arith.cmpi sge, %get3A_312, %ge3A_313 : vector<16xi32>
        %jit3A_315 = arith.constant 1 : i32
        %jit3A_316 = arith.constant 0 : i32
        %broadcast_in_dim3A_317 = vector.broadcast %jit3A_315 : i32 to vector<16xi32>
        %broadcast_in_dim3A_318 = vector.broadcast %jit3A_316 : i32 to vector<16xi32>
        %select_n3A_319 = arith.select %ge3A_314, %broadcast_in_dim3A_317, %broadcast_in_dim3A_318 : vector<16xi1>, vector<16xi32>
        %add3A_320 = arith.addi %scan3A_306, %select_n3A_319 : vector<16xi32>
        %mul3A_321 = arith.constant 128 : i32
        %mul3A_322 = arith.muli %scan3A_305, %mul3A_321 : i32
        %add3A_323 = arith.constant 16 : i32
        %add3A_324 = arith.addi %mul3A_322, %add3A_323 : i32
        %get3A_325 = arith.index_cast %add3A_324 : i32 to index
        %get3A_326 = tpu.vector_load %arg6[%get3A_325] {strides = array<i32>} : memref<24576xi32, #tpu.memory_space<vmem>>, vector<16xi32>,
        %get3A_327 = vector.shape_cast %get3A_326 : vector<16xi32> to vector<16xi32>
        %ge3A_328 = vector.broadcast %or3A : i32 to vector<16xi32>
        %ge3A_329 = arith.cmpi sge, %get3A_327, %ge3A_328 : vector<16xi32>
        %jit3A_330 = arith.constant 1 : i32
        %jit3A_331 = arith.constant 0 : i32
        %broadcast_in_dim3A_332 = vector.broadcast %jit3A_330 : i32 to vector<16xi32>
        %broadcast_in_dim3A_333 = vector.broadcast %jit3A_331 : i32 to vector<16xi32>
        %select_n3A_334 = arith.select %ge3A_329, %broadcast_in_dim3A_332, %broadcast_in_dim3A_333 : vector<16xi1>, vector<16xi32>
        %add3A_335 = arith.addi %add3A_320, %select_n3A_334 : vector<16xi32>
        %mul3A_336 = arith.constant 128 : i32
        %mul3A_337 = arith.muli %scan3A_305, %mul3A_336 : i32
        %add3A_338 = arith.constant 32 : i32
        %add3A_339 = arith.addi %mul3A_337, %add3A_338 : i32
        %get3A_340 = arith.index_cast %add3A_339 : i32 to index
        %get3A_341 = tpu.vector_load %arg6[%get3A_340] {strides = array<i32>} : memref<24576xi32, #tpu.memory_space<vmem>>, vector<16xi32>,
        %get3A_342 = vector.shape_cast %get3A_341 : vector<16xi32> to vector<16xi32>
        %ge3A_343 = vector.broadcast %or3A : i32 to vector<16xi32>
        %ge3A_344 = arith.cmpi sge, %get3A_342, %ge3A_343 : vector<16xi32>
        %jit3A_345 = arith.constant 1 : i32
        %jit3A_346 = arith.constant 0 : i32
        %broadcast_in_dim3A_347 = vector.broadcast %jit3A_345 : i32 to vector<16xi32>
        %broadcast_in_dim3A_348 = vector.broadcast %jit3A_346 : i32 to vector<16xi32>
        %select_n3A_349 = arith.select %ge3A_344, %broadcast_in_dim3A_347, %broadcast_in_dim3A_348 : vector<16xi1>, vector<16xi32>
        %add3A_350 = arith.addi %add3A_335, %select_n3A_349 : vector<16xi32>
        %mul3A_351 = arith.constant 128 : i32
        %mul3A_352 = arith.muli %scan3A_305, %mul3A_351 : i32
        %add3A_353 = arith.constant 48 : i32
        %add3A_354 = arith.addi %mul3A_352, %add3A_353 : i32
        %get3A_355 = arith.index_cast %add3A_354 : i32 to index
        %get3A_356 = tpu.vector_load %arg6[%get3A_355] {strides = array<i32>} : memref<24576xi32, #tpu.memory_space<vmem>>, vector<16xi32>,
        %get3A_357 = vector.shape_cast %get3A_356 : vector<16xi32> to vector<16xi32>
        %ge3A_358 = vector.broadcast %or3A : i32 to vector<16xi32>
        %ge3A_359 = arith.cmpi sge, %get3A_357, %ge3A_358 : vector<16xi32>
        %jit3A_360 = arith.constant 1 : i32
        %jit3A_361 = arith.constant 0 : i32
        %broadcast_in_dim3A_362 = vector.broadcast %jit3A_360 : i32 to vector<16xi32>
        %broadcast_in_dim3A_363 = vector.broadcast %jit3A_361 : i32 to vector<16xi32>
        %select_n3A_364 = arith.select %ge3A_359, %broadcast_in_dim3A_362, %broadcast_in_dim3A_363 : vector<16xi1>, vector<16xi32>
        %add3A_365 = arith.addi %add3A_350, %select_n3A_364 : vector<16xi32>
        %mul3A_366 = arith.constant 128 : i32
        %mul3A_367 = arith.muli %scan3A_305, %mul3A_366 : i32
        %add3A_368 = arith.constant 64 : i32
        %add3A_369 = arith.addi %mul3A_367, %add3A_368 : i32
        %get3A_370 = arith.index_cast %add3A_369 : i32 to index
        %get3A_371 = tpu.vector_load %arg6[%get3A_370] {strides = array<i32>} : memref<24576xi32, #tpu.memory_space<vmem>>, vector<16xi32>,
        %get3A_372 = vector.shape_cast %get3A_371 : vector<16xi32> to vector<16xi32>
        %ge3A_373 = vector.broadcast %or3A : i32 to vector<16xi32>
        %ge3A_374 = arith.cmpi sge, %get3A_372, %ge3A_373 : vector<16xi32>
        %jit3A_375 = arith.constant 1 : i32
        %jit3A_376 = arith.constant 0 : i32
        %broadcast_in_dim3A_377 = vector.broadcast %jit3A_375 : i32 to vector<16xi32>
        %broadcast_in_dim3A_378 = vector.broadcast %jit3A_376 : i32 to vector<16xi32>
        %select_n3A_379 = arith.select %ge3A_374, %broadcast_in_dim3A_377, %broadcast_in_dim3A_378 : vector<16xi1>, vector<16xi32>
        %add3A_380 = arith.addi %add3A_365, %select_n3A_379 : vector<16xi32>
        %mul3A_381 = arith.constant 128 : i32
        %mul3A_382 = arith.muli %scan3A_305, %mul3A_381 : i32
        %add3A_383 = arith.constant 80 : i32
        %add3A_384 = arith.addi %mul3A_382, %add3A_383 : i32
        %get3A_385 = arith.index_cast %add3A_384 : i32 to index
        %get3A_386 = tpu.vector_load %arg6[%get3A_385] {strides = array<i32>} : memref<24576xi32, #tpu.memory_space<vmem>>, vector<16xi32>,
        %get3A_387 = vector.shape_cast %get3A_386 : vector<16xi32> to vector<16xi32>
        %ge3A_388 = vector.broadcast %or3A : i32 to vector<16xi32>
        %ge3A_389 = arith.cmpi sge, %get3A_387, %ge3A_388 : vector<16xi32>
        %jit3A_390 = arith.constant 1 : i32
        %jit3A_391 = arith.constant 0 : i32
        %broadcast_in_dim3A_392 = vector.broadcast %jit3A_390 : i32 to vector<16xi32>
        %broadcast_in_dim3A_393 = vector.broadcast %jit3A_391 : i32 to vector<16xi32>
        %select_n3A_394 = arith.select %ge3A_389, %broadcast_in_dim3A_392, %broadcast_in_dim3A_393 : vector<16xi1>, vector<16xi32>
        %add3A_395 = arith.addi %add3A_380, %select_n3A_394 : vector<16xi32>
        %mul3A_396 = arith.constant 128 : i32
        %mul3A_397 = arith.muli %scan3A_305, %mul3A_396 : i32
        %add3A_398 = arith.constant 96 : i32
        %add3A_399 = arith.addi %mul3A_397, %add3A_398 : i32
        %get3A_400 = arith.index_cast %add3A_399 : i32 to index
        %get3A_401 = tpu.vector_load %arg6[%get3A_400] {strides = array<i32>} : memref<24576xi32, #tpu.memory_space<vmem>>, vector<16xi32>,
        %get3A_402 = vector.shape_cast %get3A_401 : vector<16xi32> to vector<16xi32>
        %ge3A_403 = vector.broadcast %or3A : i32 to vector<16xi32>
        %ge3A_404 = arith.cmpi sge, %get3A_402, %ge3A_403 : vector<16xi32>
        %jit3A_405 = arith.constant 1 : i32
        %jit3A_406 = arith.constant 0 : i32
        %broadcast_in_dim3A_407 = vector.broadcast %jit3A_405 : i32 to vector<16xi32>
        %broadcast_in_dim3A_408 = vector.broadcast %jit3A_406 : i32 to vector<16xi32>
        %select_n3A_409 = arith.select %ge3A_404, %broadcast_in_dim3A_407, %broadcast_in_dim3A_408 : vector<16xi1>, vector<16xi32>
        %add3A_410 = arith.addi %add3A_395, %select_n3A_409 : vector<16xi32>
        %mul3A_411 = arith.constant 128 : i32
        %mul3A_412 = arith.muli %scan3A_305, %mul3A_411 : i32
        %add3A_413 = arith.constant 112 : i32
        %add3A_414 = arith.addi %mul3A_412, %add3A_413 : i32
        %get3A_415 = arith.index_cast %add3A_414 : i32 to index
        %get3A_416 = tpu.vector_load %arg6[%get3A_415] {strides = array<i32>} : memref<24576xi32, #tpu.memory_space<vmem>>, vector<16xi32>,
        %get3A_417 = vector.shape_cast %get3A_416 : vector<16xi32> to vector<16xi32>
        %ge3A_418 = vector.broadcast %or3A : i32 to vector<16xi32>
        %ge3A_419 = arith.cmpi sge, %get3A_417, %ge3A_418 : vector<16xi32>
        %jit3A_420 = arith.constant 1 : i32
        %jit3A_421 = arith.constant 0 : i32
        %broadcast_in_dim3A_422 = vector.broadcast %jit3A_420 : i32 to vector<16xi32>
        %broadcast_in_dim3A_423 = vector.broadcast %jit3A_421 : i32 to vector<16xi32>
        %select_n3A_424 = arith.select %ge3A_419, %broadcast_in_dim3A_422, %broadcast_in_dim3A_423 : vector<16xi1>, vector<16xi32>
        %add3A_425 = arith.addi %add3A_410, %select_n3A_424 : vector<16xi32>
        scf.yield %add3A_425 : vector<16xi32>
      }
      %scan3A_256 = arith.constant 192 : i32
      %slice3A_257 = vector.extract_strided_slice %scan3A_255 {offsets = [0], sizes = [1], strides = [1]} : vector<16xi32> to vector<1xi32>
      %squeeze3A_258 = vector.extract %slice3A_257[0] : i32 from vector<1xi32>
      %slice3A_259 = vector.extract_strided_slice %scan3A_255 {offsets = [1], sizes = [1], strides = [1]} : vector<16xi32> to vector<1xi32>
      %squeeze3A_260 = vector.extract %slice3A_259[0] : i32 from vector<1xi32>
      %add3A_261 = arith.addi %squeeze3A_258, %squeeze3A_260 : i32
      %slice3A_262 = vector.extract_strided_slice %scan3A_255 {offsets = [2], sizes = [1], strides = [1]} : vector<16xi32> to vector<1xi32>
      %squeeze3A_263 = vector.extract %slice3A_262[0] : i32 from vector<1xi32>
      %add3A_264 = arith.addi %add3A_261, %squeeze3A_263 : i32
      %slice3A_265 = vector.extract_strided_slice %scan3A_255 {offsets = [3], sizes = [1], strides = [1]} : vector<16xi32> to vector<1xi32>
      %squeeze3A_266 = vector.extract %slice3A_265[0] : i32 from vector<1xi32>
      %add3A_267 = arith.addi %add3A_264, %squeeze3A_266 : i32
      %slice3A_268 = vector.extract_strided_slice %scan3A_255 {offsets = [4], sizes = [1], strides = [1]} : vector<16xi32> to vector<1xi32>
      %squeeze3A_269 = vector.extract %slice3A_268[0] : i32 from vector<1xi32>
      %add3A_270 = arith.addi %add3A_267, %squeeze3A_269 : i32
      %slice3A_271 = vector.extract_strided_slice %scan3A_255 {offsets = [5], sizes = [1], strides = [1]} : vector<16xi32> to vector<1xi32>
      %squeeze3A_272 = vector.extract %slice3A_271[0] : i32 from vector<1xi32>
      %add3A_273 = arith.addi %add3A_270, %squeeze3A_272 : i32
      %slice3A_274 = vector.extract_strided_slice %scan3A_255 {offsets = [6], sizes = [1], strides = [1]} : vector<16xi32> to vector<1xi32>
      %squeeze3A_275 = vector.extract %slice3A_274[0] : i32 from vector<1xi32>
      %add3A_276 = arith.addi %add3A_273, %squeeze3A_275 : i32
      %slice3A_277 = vector.extract_strided_slice %scan3A_255 {offsets = [7], sizes = [1], strides = [1]} : vector<16xi32> to vector<1xi32>
      %squeeze3A_278 = vector.extract %slice3A_277[0] : i32 from vector<1xi32>
      %add3A_279 = arith.addi %add3A_276, %squeeze3A_278 : i32
      %slice3A_280 = vector.extract_strided_slice %scan3A_255 {offsets = [8], sizes = [1], strides = [1]} : vector<16xi32> to vector<1xi32>
      %squeeze3A_281 = vector.extract %slice3A_280[0] : i32 from vector<1xi32>
      %add3A_282 = arith.addi %add3A_279, %squeeze3A_281 : i32
      %slice3A_283 = vector.extract_strided_slice %scan3A_255 {offsets = [9], sizes = [1], strides = [1]} : vector<16xi32> to vector<1xi32>
      %squeeze3A_284 = vector.extract %slice3A_283[0] : i32 from vector<1xi32>
      %add3A_285 = arith.addi %add3A_282, %squeeze3A_284 : i32
      %slice3A_286 = vector.extract_strided_slice %scan3A_255 {offsets = [10], sizes = [1], strides = [1]} : vector<16xi32> to vector<1xi32>
      %squeeze3A_287 = vector.extract %slice3A_286[0] : i32 from vector<1xi32>
      %add3A_288 = arith.addi %add3A_285, %squeeze3A_287 : i32
      %slice3A_289 = vector.extract_strided_slice %scan3A_255 {offsets = [11], sizes = [1], strides = [1]} : vector<16xi32> to vector<1xi32>
      %squeeze3A_290 = vector.extract %slice3A_289[0] : i32 from vector<1xi32>
      %add3A_291 = arith.addi %add3A_288, %squeeze3A_290 : i32
      %slice3A_292 = vector.extract_strided_slice %scan3A_255 {offsets = [12], sizes = [1], strides = [1]} : vector<16xi32> to vector<1xi32>
      %squeeze3A_293 = vector.extract %slice3A_292[0] : i32 from vector<1xi32>
      %add3A_294 = arith.addi %add3A_291, %squeeze3A_293 : i32
      %slice3A_295 = vector.extract_strided_slice %scan3A_255 {offsets = [13], sizes = [1], strides = [1]} : vector<16xi32> to vector<1xi32>
      %squeeze3A_296 = vector.extract %slice3A_295[0] : i32 from vector<1xi32>
      %add3A_297 = arith.addi %add3A_294, %squeeze3A_296 : i32
      %slice3A_298 = vector.extract_strided_slice %scan3A_255 {offsets = [14], sizes = [1], strides = [1]} : vector<16xi32> to vector<1xi32>
      %squeeze3A_299 = vector.extract %slice3A_298[0] : i32 from vector<1xi32>
      %add3A_300 = arith.addi %add3A_297, %squeeze3A_299 : i32
      %slice3A_301 = vector.extract_strided_slice %scan3A_255 {offsets = [15], sizes = [1], strides = [1]} : vector<16xi32> to vector<1xi32>
      %squeeze3A_302 = vector.extract %slice3A_301[0] : i32 from vector<1xi32>
      %add3A_303 = arith.addi %add3A_300, %squeeze3A_302 : i32
      %ge3A = arith.cmpi sge, %add3A_303, %mul3A_106 : i32
      %select_n3A_304 = arith.select %ge3A, %or3A, %scan3A_245 : i32
      scf.yield %select_n3A_304 : i32
    }
    %scan3A_113 = arith.constant 22 : i32
    %broadcast_in_dim3A_114 = arith.constant 0.000000e+00 : f32
    %broadcast_in_dim3A_115 = vector.broadcast %broadcast_in_dim3A_114 : f32 to vector<16xf32>
    %broadcast_in_dim3A_116 = arith.constant 0 : i32
    %broadcast_in_dim3A_117 = vector.broadcast %broadcast_in_dim3A_116 : i32 to vector<16xi32>
    %scan3A_118 = arith.constant 0 : i32
    %scan3A_119 = arith.constant 192 : i32
    %scan3A_120 = arith.addi %scan3A_118, %scan3A_119 : i32
    %scan3A_121 = arith.constant 1 : i32
    %scan3A_122:2 = scf.for %scan3A_244 = %scan3A_118 to %scan3A_120 step %scan3A_121 iter_args(%scan3A_245 = %broadcast_in_dim3A_115, %scan3A_246 = %broadcast_in_dim3A_117) -> (vector<16xf32>, vector<16xi32>)  : i32 {
      %mul3A_247 = arith.constant 128 : i32
      %mul3A_248 = arith.muli %scan3A_244, %mul3A_247 : i32
      %add3A_249 = arith.constant 0 : i32
      %add3A_250 = arith.addi %mul3A_248, %add3A_249 : i32
      %get3A = arith.index_cast %add3A_250 : i32 to index
      %get3A_251 = tpu.vector_load %arg6[%get3A] {strides = array<i32>} : memref<24576xi32, #tpu.memory_space<vmem>>, vector<16xi32>,
      %get3A_252 = vector.shape_cast %get3A_251 : vector<16xi32> to vector<16xi32>
      %bitcast_convert_type3A_253 = tpu.bitcast %get3A_252 : vector<16xi32> -> vector<16xf32>
      %gt3A_254 = vector.broadcast %scan3A_112 : i32 to vector<16xi32>
      %gt3A_255 = arith.cmpi sgt, %get3A_252, %gt3A_254 : vector<16xi32>
      %jit3A_256 = arith.constant 0.000000e+00 : f32
      %broadcast_in_dim3A_257 = vector.broadcast %jit3A_256 : f32 to vector<16xf32>
      %select_n3A_258 = arith.select %gt3A_255, %bitcast_convert_type3A_253, %broadcast_in_dim3A_257 : vector<16xi1>, vector<16xf32>
      %add3A_259 = arith.addf %scan3A_245, %select_n3A_258 : vector<16xf32>
      %jit3A_260 = arith.constant 1 : i32
      %jit3A_261 = arith.constant 0 : i32
      %broadcast_in_dim3A_262 = vector.broadcast %jit3A_260 : i32 to vector<16xi32>
      %broadcast_in_dim3A_263 = vector.broadcast %jit3A_261 : i32 to vector<16xi32>
      %select_n3A_264 = arith.select %gt3A_255, %broadcast_in_dim3A_262, %broadcast_in_dim3A_263 : vector<16xi1>, vector<16xi32>
      %add3A_265 = arith.addi %scan3A_246, %select_n3A_264 : vector<16xi32>
      %mul3A_266 = arith.constant 128 : i32
      %mul3A_267 = arith.muli %scan3A_244, %mul3A_266 : i32
      %add3A_268 = arith.constant 16 : i32
      %add3A_269 = arith.addi %mul3A_267, %add3A_268 : i32
      %get3A_270 = arith.index_cast %add3A_269 : i32 to index
      %get3A_271 = tpu.vector_load %arg6[%get3A_270] {strides = array<i32>} : memref<24576xi32, #tpu.memory_space<vmem>>, vector<16xi32>,
      %get3A_272 = vector.shape_cast %get3A_271 : vector<16xi32> to vector<16xi32>
      %bitcast_convert_type3A_273 = tpu.bitcast %get3A_272 : vector<16xi32> -> vector<16xf32>
      %gt3A_274 = vector.broadcast %scan3A_112 : i32 to vector<16xi32>
      %gt3A_275 = arith.cmpi sgt, %get3A_272, %gt3A_274 : vector<16xi32>
      %jit3A_276 = arith.constant 0.000000e+00 : f32
      %broadcast_in_dim3A_277 = vector.broadcast %jit3A_276 : f32 to vector<16xf32>
      %select_n3A_278 = arith.select %gt3A_275, %bitcast_convert_type3A_273, %broadcast_in_dim3A_277 : vector<16xi1>, vector<16xf32>
      %add3A_279 = arith.addf %add3A_259, %select_n3A_278 : vector<16xf32>
      %jit3A_280 = arith.constant 1 : i32
      %jit3A_281 = arith.constant 0 : i32
      %broadcast_in_dim3A_282 = vector.broadcast %jit3A_280 : i32 to vector<16xi32>
      %broadcast_in_dim3A_283 = vector.broadcast %jit3A_281 : i32 to vector<16xi32>
      %select_n3A_284 = arith.select %gt3A_275, %broadcast_in_dim3A_282, %broadcast_in_dim3A_283 : vector<16xi1>, vector<16xi32>
      %add3A_285 = arith.addi %add3A_265, %select_n3A_284 : vector<16xi32>
      %mul3A_286 = arith.constant 128 : i32
      %mul3A_287 = arith.muli %scan3A_244, %mul3A_286 : i32
      %add3A_288 = arith.constant 32 : i32
      %add3A_289 = arith.addi %mul3A_287, %add3A_288 : i32
      %get3A_290 = arith.index_cast %add3A_289 : i32 to index
      %get3A_291 = tpu.vector_load %arg6[%get3A_290] {strides = array<i32>} : memref<24576xi32, #tpu.memory_space<vmem>>, vector<16xi32>,
      %get3A_292 = vector.shape_cast %get3A_291 : vector<16xi32> to vector<16xi32>
      %bitcast_convert_type3A_293 = tpu.bitcast %get3A_292 : vector<16xi32> -> vector<16xf32>
      %gt3A_294 = vector.broadcast %scan3A_112 : i32 to vector<16xi32>
      %gt3A_295 = arith.cmpi sgt, %get3A_292, %gt3A_294 : vector<16xi32>
      %jit3A_296 = arith.constant 0.000000e+00 : f32
      %broadcast_in_dim3A_297 = vector.broadcast %jit3A_296 : f32 to vector<16xf32>
      %select_n3A_298 = arith.select %gt3A_295, %bitcast_convert_type3A_293, %broadcast_in_dim3A_297 : vector<16xi1>, vector<16xf32>
      %add3A_299 = arith.addf %add3A_279, %select_n3A_298 : vector<16xf32>
      %jit3A_300 = arith.constant 1 : i32
      %jit3A_301 = arith.constant 0 : i32
      %broadcast_in_dim3A_302 = vector.broadcast %jit3A_300 : i32 to vector<16xi32>
      %broadcast_in_dim3A_303 = vector.broadcast %jit3A_301 : i32 to vector<16xi32>
      %select_n3A_304 = arith.select %gt3A_295, %broadcast_in_dim3A_302, %broadcast_in_dim3A_303 : vector<16xi1>, vector<16xi32>
      %add3A_305 = arith.addi %add3A_285, %select_n3A_304 : vector<16xi32>
      %mul3A_306 = arith.constant 128 : i32
      %mul3A_307 = arith.muli %scan3A_244, %mul3A_306 : i32
      %add3A_308 = arith.constant 48 : i32
      %add3A_309 = arith.addi %mul3A_307, %add3A_308 : i32
      %get3A_310 = arith.index_cast %add3A_309 : i32 to index
      %get3A_311 = tpu.vector_load %arg6[%get3A_310] {strides = array<i32>} : memref<24576xi32, #tpu.memory_space<vmem>>, vector<16xi32>,
      %get3A_312 = vector.shape_cast %get3A_311 : vector<16xi32> to vector<16xi32>
      %bitcast_convert_type3A_313 = tpu.bitcast %get3A_312 : vector<16xi32> -> vector<16xf32>
      %gt3A_314 = vector.broadcast %scan3A_112 : i32 to vector<16xi32>
      %gt3A_315 = arith.cmpi sgt, %get3A_312, %gt3A_314 : vector<16xi32>
      %jit3A_316 = arith.constant 0.000000e+00 : f32
      %broadcast_in_dim3A_317 = vector.broadcast %jit3A_316 : f32 to vector<16xf32>
      %select_n3A_318 = arith.select %gt3A_315, %bitcast_convert_type3A_313, %broadcast_in_dim3A_317 : vector<16xi1>, vector<16xf32>
      %add3A_319 = arith.addf %add3A_299, %select_n3A_318 : vector<16xf32>
      %jit3A_320 = arith.constant 1 : i32
      %jit3A_321 = arith.constant 0 : i32
      %broadcast_in_dim3A_322 = vector.broadcast %jit3A_320 : i32 to vector<16xi32>
      %broadcast_in_dim3A_323 = vector.broadcast %jit3A_321 : i32 to vector<16xi32>
      %select_n3A_324 = arith.select %gt3A_315, %broadcast_in_dim3A_322, %broadcast_in_dim3A_323 : vector<16xi1>, vector<16xi32>
      %add3A_325 = arith.addi %add3A_305, %select_n3A_324 : vector<16xi32>
      %mul3A_326 = arith.constant 128 : i32
      %mul3A_327 = arith.muli %scan3A_244, %mul3A_326 : i32
      %add3A_328 = arith.constant 64 : i32
      %add3A_329 = arith.addi %mul3A_327, %add3A_328 : i32
      %get3A_330 = arith.index_cast %add3A_329 : i32 to index
      %get3A_331 = tpu.vector_load %arg6[%get3A_330] {strides = array<i32>} : memref<24576xi32, #tpu.memory_space<vmem>>, vector<16xi32>,
      %get3A_332 = vector.shape_cast %get3A_331 : vector<16xi32> to vector<16xi32>
      %bitcast_convert_type3A_333 = tpu.bitcast %get3A_332 : vector<16xi32> -> vector<16xf32>
      %gt3A_334 = vector.broadcast %scan3A_112 : i32 to vector<16xi32>
      %gt3A_335 = arith.cmpi sgt, %get3A_332, %gt3A_334 : vector<16xi32>
      %jit3A_336 = arith.constant 0.000000e+00 : f32
      %broadcast_in_dim3A_337 = vector.broadcast %jit3A_336 : f32 to vector<16xf32>
      %select_n3A_338 = arith.select %gt3A_335, %bitcast_convert_type3A_333, %broadcast_in_dim3A_337 : vector<16xi1>, vector<16xf32>
      %add3A_339 = arith.addf %add3A_319, %select_n3A_338 : vector<16xf32>
      %jit3A_340 = arith.constant 1 : i32
      %jit3A_341 = arith.constant 0 : i32
      %broadcast_in_dim3A_342 = vector.broadcast %jit3A_340 : i32 to vector<16xi32>
      %broadcast_in_dim3A_343 = vector.broadcast %jit3A_341 : i32 to vector<16xi32>
      %select_n3A_344 = arith.select %gt3A_335, %broadcast_in_dim3A_342, %broadcast_in_dim3A_343 : vector<16xi1>, vector<16xi32>
      %add3A_345 = arith.addi %add3A_325, %select_n3A_344 : vector<16xi32>
      %mul3A_346 = arith.constant 128 : i32
      %mul3A_347 = arith.muli %scan3A_244, %mul3A_346 : i32
      %add3A_348 = arith.constant 80 : i32
      %add3A_349 = arith.addi %mul3A_347, %add3A_348 : i32
      %get3A_350 = arith.index_cast %add3A_349 : i32 to index
      %get3A_351 = tpu.vector_load %arg6[%get3A_350] {strides = array<i32>} : memref<24576xi32, #tpu.memory_space<vmem>>, vector<16xi32>,
      %get3A_352 = vector.shape_cast %get3A_351 : vector<16xi32> to vector<16xi32>
      %bitcast_convert_type3A_353 = tpu.bitcast %get3A_352 : vector<16xi32> -> vector<16xf32>
      %gt3A_354 = vector.broadcast %scan3A_112 : i32 to vector<16xi32>
      %gt3A_355 = arith.cmpi sgt, %get3A_352, %gt3A_354 : vector<16xi32>
      %jit3A_356 = arith.constant 0.000000e+00 : f32
      %broadcast_in_dim3A_357 = vector.broadcast %jit3A_356 : f32 to vector<16xf32>
      %select_n3A_358 = arith.select %gt3A_355, %bitcast_convert_type3A_353, %broadcast_in_dim3A_357 : vector<16xi1>, vector<16xf32>
      %add3A_359 = arith.addf %add3A_339, %select_n3A_358 : vector<16xf32>
      %jit3A_360 = arith.constant 1 : i32
      %jit3A_361 = arith.constant 0 : i32
      %broadcast_in_dim3A_362 = vector.broadcast %jit3A_360 : i32 to vector<16xi32>
      %broadcast_in_dim3A_363 = vector.broadcast %jit3A_361 : i32 to vector<16xi32>
      %select_n3A_364 = arith.select %gt3A_355, %broadcast_in_dim3A_362, %broadcast_in_dim3A_363 : vector<16xi1>, vector<16xi32>
      %add3A_365 = arith.addi %add3A_345, %select_n3A_364 : vector<16xi32>
      %mul3A_366 = arith.constant 128 : i32
      %mul3A_367 = arith.muli %scan3A_244, %mul3A_366 : i32
      %add3A_368 = arith.constant 96 : i32
      %add3A_369 = arith.addi %mul3A_367, %add3A_368 : i32
      %get3A_370 = arith.index_cast %add3A_369 : i32 to index
      %get3A_371 = tpu.vector_load %arg6[%get3A_370] {strides = array<i32>} : memref<24576xi32, #tpu.memory_space<vmem>>, vector<16xi32>,
      %get3A_372 = vector.shape_cast %get3A_371 : vector<16xi32> to vector<16xi32>
      %bitcast_convert_type3A_373 = tpu.bitcast %get3A_372 : vector<16xi32> -> vector<16xf32>
      %gt3A_374 = vector.broadcast %scan3A_112 : i32 to vector<16xi32>
      %gt3A_375 = arith.cmpi sgt, %get3A_372, %gt3A_374 : vector<16xi32>
      %jit3A_376 = arith.constant 0.000000e+00 : f32
      %broadcast_in_dim3A_377 = vector.broadcast %jit3A_376 : f32 to vector<16xf32>
      %select_n3A_378 = arith.select %gt3A_375, %bitcast_convert_type3A_373, %broadcast_in_dim3A_377 : vector<16xi1>, vector<16xf32>
      %add3A_379 = arith.addf %add3A_359, %select_n3A_378 : vector<16xf32>
      %jit3A_380 = arith.constant 1 : i32
      %jit3A_381 = arith.constant 0 : i32
      %broadcast_in_dim3A_382 = vector.broadcast %jit3A_380 : i32 to vector<16xi32>
      %broadcast_in_dim3A_383 = vector.broadcast %jit3A_381 : i32 to vector<16xi32>
      %select_n3A_384 = arith.select %gt3A_375, %broadcast_in_dim3A_382, %broadcast_in_dim3A_383 : vector<16xi1>, vector<16xi32>
      %add3A_385 = arith.addi %add3A_365, %select_n3A_384 : vector<16xi32>
      %mul3A_386 = arith.constant 128 : i32
      %mul3A_387 = arith.muli %scan3A_244, %mul3A_386 : i32
      %add3A_388 = arith.constant 112 : i32
      %add3A_389 = arith.addi %mul3A_387, %add3A_388 : i32
      %get3A_390 = arith.index_cast %add3A_389 : i32 to index
      %get3A_391 = tpu.vector_load %arg6[%get3A_390] {strides = array<i32>} : memref<24576xi32, #tpu.memory_space<vmem>>, vector<16xi32>,
      %get3A_392 = vector.shape_cast %get3A_391 : vector<16xi32> to vector<16xi32>
      %bitcast_convert_type3A_393 = tpu.bitcast %get3A_392 : vector<16xi32> -> vector<16xf32>
      %gt3A_394 = vector.broadcast %scan3A_112 : i32 to vector<16xi32>
      %gt3A_395 = arith.cmpi sgt, %get3A_392, %gt3A_394 : vector<16xi32>
      %jit3A_396 = arith.constant 0.000000e+00 : f32
      %broadcast_in_dim3A_397 = vector.broadcast %jit3A_396 : f32 to vector<16xf32>
      %select_n3A_398 = arith.select %gt3A_395, %bitcast_convert_type3A_393, %broadcast_in_dim3A_397 : vector<16xi1>, vector<16xf32>
      %add3A_399 = arith.addf %add3A_379, %select_n3A_398 : vector<16xf32>
      %jit3A_400 = arith.constant 1 : i32
      %jit3A_401 = arith.constant 0 : i32
      %broadcast_in_dim3A_402 = vector.broadcast %jit3A_400 : i32 to vector<16xi32>
      %broadcast_in_dim3A_403 = vector.broadcast %jit3A_401 : i32 to vector<16xi32>
      %select_n3A_404 = arith.select %gt3A_395, %broadcast_in_dim3A_402, %broadcast_in_dim3A_403 : vector<16xi1>, vector<16xi32>
      %add3A_405 = arith.addi %add3A_385, %select_n3A_404 : vector<16xi32>
      scf.yield %add3A_399, %add3A_405 : vector<16xf32>, vector<16xi32>
    }
    %scan3A_123 = arith.constant 192 : i32
    %slice3A_124 = vector.extract_strided_slice %scan3A_122#0 {offsets = [0], sizes = [1], strides = [1]} : vector<16xf32> to vector<1xf32>
    %squeeze3A_125 = vector.extract %slice3A_124[0] : f32 from vector<1xf32>
    %slice3A_126 = vector.extract_strided_slice %scan3A_122#0 {offsets = [1], sizes = [1], strides = [1]} : vector<16xf32> to vector<1xf32>
    %squeeze3A_127 = vector.extract %slice3A_126[0] : f32 from vector<1xf32>
    %add3A_128 = arith.addf %squeeze3A_125, %squeeze3A_127 : f32
    %slice3A_129 = vector.extract_strided_slice %scan3A_122#0 {offsets = [2], sizes = [1], strides = [1]} : vector<16xf32> to vector<1xf32>
    %squeeze3A_130 = vector.extract %slice3A_129[0] : f32 from vector<1xf32>
    %add3A_131 = arith.addf %add3A_128, %squeeze3A_130 : f32
    %slice3A_132 = vector.extract_strided_slice %scan3A_122#0 {offsets = [3], sizes = [1], strides = [1]} : vector<16xf32> to vector<1xf32>
    %squeeze3A_133 = vector.extract %slice3A_132[0] : f32 from vector<1xf32>
    %add3A_134 = arith.addf %add3A_131, %squeeze3A_133 : f32
    %slice3A_135 = vector.extract_strided_slice %scan3A_122#0 {offsets = [4], sizes = [1], strides = [1]} : vector<16xf32> to vector<1xf32>
    %squeeze3A_136 = vector.extract %slice3A_135[0] : f32 from vector<1xf32>
    %add3A_137 = arith.addf %add3A_134, %squeeze3A_136 : f32
    %slice3A_138 = vector.extract_strided_slice %scan3A_122#0 {offsets = [5], sizes = [1], strides = [1]} : vector<16xf32> to vector<1xf32>
    %squeeze3A_139 = vector.extract %slice3A_138[0] : f32 from vector<1xf32>
    %add3A_140 = arith.addf %add3A_137, %squeeze3A_139 : f32
    %slice3A_141 = vector.extract_strided_slice %scan3A_122#0 {offsets = [6], sizes = [1], strides = [1]} : vector<16xf32> to vector<1xf32>
    %squeeze3A_142 = vector.extract %slice3A_141[0] : f32 from vector<1xf32>
    %add3A_143 = arith.addf %add3A_140, %squeeze3A_142 : f32
    %slice3A_144 = vector.extract_strided_slice %scan3A_122#0 {offsets = [7], sizes = [1], strides = [1]} : vector<16xf32> to vector<1xf32>
    %squeeze3A_145 = vector.extract %slice3A_144[0] : f32 from vector<1xf32>
    %add3A_146 = arith.addf %add3A_143, %squeeze3A_145 : f32
    %slice3A_147 = vector.extract_strided_slice %scan3A_122#0 {offsets = [8], sizes = [1], strides = [1]} : vector<16xf32> to vector<1xf32>
    %squeeze3A_148 = vector.extract %slice3A_147[0] : f32 from vector<1xf32>
    %add3A_149 = arith.addf %add3A_146, %squeeze3A_148 : f32
    %slice3A_150 = vector.extract_strided_slice %scan3A_122#0 {offsets = [9], sizes = [1], strides = [1]} : vector<16xf32> to vector<1xf32>
    %squeeze3A_151 = vector.extract %slice3A_150[0] : f32 from vector<1xf32>
    %add3A_152 = arith.addf %add3A_149, %squeeze3A_151 : f32
    %slice3A_153 = vector.extract_strided_slice %scan3A_122#0 {offsets = [10], sizes = [1], strides = [1]} : vector<16xf32> to vector<1xf32>
    %squeeze3A_154 = vector.extract %slice3A_153[0] : f32 from vector<1xf32>
    %add3A_155 = arith.addf %add3A_152, %squeeze3A_154 : f32
    %slice3A_156 = vector.extract_strided_slice %scan3A_122#0 {offsets = [11], sizes = [1], strides = [1]} : vector<16xf32> to vector<1xf32>
    %squeeze3A_157 = vector.extract %slice3A_156[0] : f32 from vector<1xf32>
    %add3A_158 = arith.addf %add3A_155, %squeeze3A_157 : f32
    %slice3A_159 = vector.extract_strided_slice %scan3A_122#0 {offsets = [12], sizes = [1], strides = [1]} : vector<16xf32> to vector<1xf32>
    %squeeze3A_160 = vector.extract %slice3A_159[0] : f32 from vector<1xf32>
    %add3A_161 = arith.addf %add3A_158, %squeeze3A_160 : f32
    %slice3A_162 = vector.extract_strided_slice %scan3A_122#0 {offsets = [13], sizes = [1], strides = [1]} : vector<16xf32> to vector<1xf32>
    %squeeze3A_163 = vector.extract %slice3A_162[0] : f32 from vector<1xf32>
    %add3A_164 = arith.addf %add3A_161, %squeeze3A_163 : f32
    %slice3A_165 = vector.extract_strided_slice %scan3A_122#0 {offsets = [14], sizes = [1], strides = [1]} : vector<16xf32> to vector<1xf32>
    %squeeze3A_166 = vector.extract %slice3A_165[0] : f32 from vector<1xf32>
    %add3A_167 = arith.addf %add3A_164, %squeeze3A_166 : f32
    %slice3A_168 = vector.extract_strided_slice %scan3A_122#0 {offsets = [15], sizes = [1], strides = [1]} : vector<16xf32> to vector<1xf32>
    %squeeze3A_169 = vector.extract %slice3A_168[0] : f32 from vector<1xf32>
    %add3A_170 = arith.addf %add3A_167, %squeeze3A_169 : f32
    %slice3A_171 = vector.extract_strided_slice %scan3A_122#1 {offsets = [0], sizes = [1], strides = [1]} : vector<16xi32> to vector<1xi32>
    %squeeze3A_172 = vector.extract %slice3A_171[0] : i32 from vector<1xi32>
    %slice3A_173 = vector.extract_strided_slice %scan3A_122#1 {offsets = [1], sizes = [1], strides = [1]} : vector<16xi32> to vector<1xi32>
    %squeeze3A_174 = vector.extract %slice3A_173[0] : i32 from vector<1xi32>
    %add3A_175 = arith.addi %squeeze3A_172, %squeeze3A_174 : i32
    %slice3A_176 = vector.extract_strided_slice %scan3A_122#1 {offsets = [2], sizes = [1], strides = [1]} : vector<16xi32> to vector<1xi32>
    %squeeze3A_177 = vector.extract %slice3A_176[0] : i32 from vector<1xi32>
    %add3A_178 = arith.addi %add3A_175, %squeeze3A_177 : i32
    %slice3A_179 = vector.extract_strided_slice %scan3A_122#1 {offsets = [3], sizes = [1], strides = [1]} : vector<16xi32> to vector<1xi32>
    %squeeze3A_180 = vector.extract %slice3A_179[0] : i32 from vector<1xi32>
    %add3A_181 = arith.addi %add3A_178, %squeeze3A_180 : i32
    %slice3A_182 = vector.extract_strided_slice %scan3A_122#1 {offsets = [4], sizes = [1], strides = [1]} : vector<16xi32> to vector<1xi32>
    %squeeze3A_183 = vector.extract %slice3A_182[0] : i32 from vector<1xi32>
    %add3A_184 = arith.addi %add3A_181, %squeeze3A_183 : i32
    %slice3A_185 = vector.extract_strided_slice %scan3A_122#1 {offsets = [5], sizes = [1], strides = [1]} : vector<16xi32> to vector<1xi32>
    %squeeze3A_186 = vector.extract %slice3A_185[0] : i32 from vector<1xi32>
    %add3A_187 = arith.addi %add3A_184, %squeeze3A_186 : i32
    %slice3A_188 = vector.extract_strided_slice %scan3A_122#1 {offsets = [6], sizes = [1], strides = [1]} : vector<16xi32> to vector<1xi32>
    %squeeze3A_189 = vector.extract %slice3A_188[0] : i32 from vector<1xi32>
    %add3A_190 = arith.addi %add3A_187, %squeeze3A_189 : i32
    %slice3A_191 = vector.extract_strided_slice %scan3A_122#1 {offsets = [7], sizes = [1], strides = [1]} : vector<16xi32> to vector<1xi32>
    %squeeze3A_192 = vector.extract %slice3A_191[0] : i32 from vector<1xi32>
    %add3A_193 = arith.addi %add3A_190, %squeeze3A_192 : i32
    %slice3A_194 = vector.extract_strided_slice %scan3A_122#1 {offsets = [8], sizes = [1], strides = [1]} : vector<16xi32> to vector<1xi32>
    %squeeze3A_195 = vector.extract %slice3A_194[0] : i32 from vector<1xi32>
    %add3A_196 = arith.addi %add3A_193, %squeeze3A_195 : i32
    %slice3A_197 = vector.extract_strided_slice %scan3A_122#1 {offsets = [9], sizes = [1], strides = [1]} : vector<16xi32> to vector<1xi32>
    %squeeze3A_198 = vector.extract %slice3A_197[0] : i32 from vector<1xi32>
    %add3A_199 = arith.addi %add3A_196, %squeeze3A_198 : i32
    %slice3A_200 = vector.extract_strided_slice %scan3A_122#1 {offsets = [10], sizes = [1], strides = [1]} : vector<16xi32> to vector<1xi32>
    %squeeze3A_201 = vector.extract %slice3A_200[0] : i32 from vector<1xi32>
    %add3A_202 = arith.addi %add3A_199, %squeeze3A_201 : i32
    %slice3A_203 = vector.extract_strided_slice %scan3A_122#1 {offsets = [11], sizes = [1], strides = [1]} : vector<16xi32> to vector<1xi32>
    %squeeze3A_204 = vector.extract %slice3A_203[0] : i32 from vector<1xi32>
    %add3A_205 = arith.addi %add3A_202, %squeeze3A_204 : i32
    %slice3A_206 = vector.extract_strided_slice %scan3A_122#1 {offsets = [12], sizes = [1], strides = [1]} : vector<16xi32> to vector<1xi32>
    %squeeze3A_207 = vector.extract %slice3A_206[0] : i32 from vector<1xi32>
    %add3A_208 = arith.addi %add3A_205, %squeeze3A_207 : i32
    %slice3A_209 = vector.extract_strided_slice %scan3A_122#1 {offsets = [13], sizes = [1], strides = [1]} : vector<16xi32> to vector<1xi32>
    %squeeze3A_210 = vector.extract %slice3A_209[0] : i32 from vector<1xi32>
    %add3A_211 = arith.addi %add3A_208, %squeeze3A_210 : i32
    %slice3A_212 = vector.extract_strided_slice %scan3A_122#1 {offsets = [14], sizes = [1], strides = [1]} : vector<16xi32> to vector<1xi32>
    %squeeze3A_213 = vector.extract %slice3A_212[0] : i32 from vector<1xi32>
    %add3A_214 = arith.addi %add3A_211, %squeeze3A_213 : i32
    %slice3A_215 = vector.extract_strided_slice %scan3A_122#1 {offsets = [15], sizes = [1], strides = [1]} : vector<16xi32> to vector<1xi32>
    %squeeze3A_216 = vector.extract %slice3A_215[0] : i32 from vector<1xi32>
    %add3A_217 = arith.addi %add3A_214, %squeeze3A_216 : i32
    %broadcast_in_dim3A_218 = vector.broadcast %scan3A_112 : i32 to vector<16xi32>
    %bitcast_convert_type3A = tpu.bitcast %broadcast_in_dim3A_218 : vector<16xi32> -> vector<16xf32>
    %sub3A = arith.subi %mul3A_106, %add3A_217 : i32
    %convert_element_type3A_219 = arith.sitofp %sub3A : i32 to f32
    %mul3A_220 = vector.broadcast %convert_element_type3A_219 : f32 to vector<16xf32>
    %mul3A_221 = arith.mulf %mul3A_220, %bitcast_convert_type3A : vector<16xf32>
    %gt3A = arith.constant 0 : i32
    %gt3A_222 = arith.cmpi sgt, %mul3A_106, %gt3A : i32
    %add3A_223 = vector.broadcast %add3A_170 : f32 to vector<16xf32>
    %add3A_224 = arith.addf %add3A_223, %mul3A_221 : vector<16xf32>
    %jit3A = arith.constant 0.000000e+00 : f32
    %broadcast_in_dim3A_225 = vector.broadcast %jit3A : f32 to vector<16xf32>
    %select_n3A = arith.select %gt3A_222, %add3A_224, %broadcast_in_dim3A_225 : vector<16xf32>
    %iota3A = tpu.iota {dimensions = array<i32: 0>} : vector<16xi32>
    %eq3A = arith.constant 0 : i32
    %eq3A_226 = vector.broadcast %eq3A : i32 to vector<16xi32>
    %eq3A_227 = arith.cmpi eq, %iota3A, %eq3A_226 : vector<16xi32>
    %jit3A_228 = arith.constant 0.000000e+00 : f32
    %broadcast_in_dim3A_229 = vector.broadcast %jit3A_228 : f32 to vector<16xf32>
    %select_n3A_230 = arith.select %eq3A_227, %select_n3A, %broadcast_in_dim3A_229 : vector<16xi1>, vector<16xf32>
    %eq3A_231 = arith.constant 1 : i32
    %eq3A_232 = vector.broadcast %eq3A_231 : i32 to vector<16xi32>
    %eq3A_233 = arith.cmpi eq, %iota3A, %eq3A_232 : vector<16xi32>
    %broadcast_in_dim3A_234 = vector.broadcast %add3A_104 : f32 to vector<16xf32>
    %select_n3A_235 = arith.select %eq3A_233, %broadcast_in_dim3A_234, %select_n3A_230 : vector<16xi1>, vector<16xf32>
    %eq3A_236 = arith.constant 2 : i32
    %eq3A_237 = vector.broadcast %eq3A_236 : i32 to vector<16xi32>
    %eq3A_238 = arith.cmpi eq, %iota3A, %eq3A_237 : vector<16xi32>
    %broadcast_in_dim3A_239 = vector.broadcast %add3A_57 : f32 to vector<16xf32>
    %select_n3A_240 = arith.select %eq3A_238, %broadcast_in_dim3A_239, %select_n3A_235 : vector<16xi1>, vector<16xf32>
    %swap3A = arith.constant 0 : index
    %swap3A_241 = tpu.vector_load %arg7[%swap3A] {strides = array<i32>} : memref<16xf32, #tpu.memory_space<vmem>>, vector<16xf32>,
    %swap3A_242 = vector.shape_cast %swap3A_241 : vector<16xf32> to vector<16xf32>
    %swap3A_243 = vector.shape_cast %select_n3A_240 : vector<16xf32> to vector<16xf32>
    tpu.vector_store %arg7[%swap3A], %swap3A_243 {strides = array<i32>} : memref<16xf32, #tpu.memory_space<vmem>>, vector<16xf32>,
    "tpu.region"() ({
      %run_scoped3A = tpu.sem_alloc : memref<!tpu.dma_semaphore, #tpu.memory_space<semaphore_mem>>
      %dma_start3A = arith.constant 0 : i32
      %dma_start3A_244 = tpu.memref_slice %arg3[%add3A, %dma_start3A] : memref<32x16xf32, #tpu.memory_space<hbm>> -> memref<1x16xf32, #tpu.memory_space<hbm>>
      %dma_start3A_245 = tpu.memref_squeeze %dma_start3A_244 : memref<1x16xf32, #tpu.memory_space<hbm>> -> memref<16xf32, #tpu.memory_space<hbm>>
      %dma_start3A_246 = arith.constant 0 : i32
      %dma_start3A_247 = tpu.memref_slice %arg3[%add3A, %dma_start3A_246] : memref<32x16xf32, #tpu.memory_space<hbm>> -> memref<1x16xf32, #tpu.memory_space<hbm>>
      %dma_start3A_248 = tpu.memref_squeeze %dma_start3A_247 : memref<1x16xf32, #tpu.memory_space<hbm>> -> memref<16xf32, #tpu.memory_space<hbm>>
      tpu.enqueue_dma source(%arg7 : memref<16xf32, #tpu.memory_space<vmem>>) target(%dma_start3A_248 : memref<16xf32, #tpu.memory_space<hbm>>) target_semaphore(%run_scoped3A : memref<!tpu.dma_semaphore, #tpu.memory_space<semaphore_mem>>)
      %dma_wait3A = arith.constant 0 : i32
      %dma_wait3A_249 = tpu.memref_slice %arg3[%add3A, %dma_wait3A] : memref<32x16xf32, #tpu.memory_space<hbm>> -> memref<1x16xf32, #tpu.memory_space<hbm>>
      %dma_wait3A_250 = tpu.memref_squeeze %dma_wait3A_249 : memref<1x16xf32, #tpu.memory_space<hbm>> -> memref<16xf32, #tpu.memory_space<hbm>>
      %dma_wait3A_251 = arith.constant 0 : i32
      %dma_wait3A_252 = tpu.memref_slice %arg3[%add3A, %dma_wait3A_251] : memref<32x16xf32, #tpu.memory_space<hbm>> -> memref<1x16xf32, #tpu.memory_space<hbm>>
      %dma_wait3A_253 = tpu.memref_squeeze %dma_wait3A_252 : memref<1x16xf32, #tpu.memory_space<hbm>> -> memref<16xf32, #tpu.memory_space<hbm>>
      tpu.wait_dma2 semaphore(%run_scoped3A : memref<!tpu.dma_semaphore, #tpu.memory_space<semaphore_mem>>) src(%arg7 : memref<16xf32, #tpu.memory_space<vmem>>) dst(%dma_wait3A_253 : memref<16xf32, #tpu.memory_space<hbm>>)
      tpu.yield
    }) : () -> ()
    return
  }
}

module attributes {stable_mosaic.version = 14 : i64} {
  func.func @_match_body(%arg0: i32, %arg1: memref<1x16x4xf32, #tpu.memory_space<vmem>>, %arg2: memref<1x4x16xf32, #tpu.memory_space<vmem>>, %arg3: memref<1x1x16xf32, #tpu.memory_space<vmem>>, %arg4: memref<4x24564xf32, #tpu.memory_space<vmem>>, %arg5: memref<4x24564xf32, #tpu.memory_space<vmem>>, %arg6: memref<8x24576xf32, #tpu.memory_space<vmem>>) attributes {dimension_semantics = [#tpu.dimension_semantics<arbitrary>], iteration_bounds = array<i64: 32>, scalar_prefetch = 0 : i64, scratch_operands = 0 : i64, tpu.core_type = #tpu.core_type<tc>, window_params = [{transform_indices = @transform_0, window_bounds = array<i64: 1, 16, 4>}, {transform_indices = @transform_1, window_bounds = array<i64: 1, 4, 16>}, {transform_indices = @transform_2, window_bounds = array<i64: 1, 1, 16>}, {pipeline_mode = #tpu.pipeline_mode<synchronous>, transform_indices = @transform_3, window_bounds = array<i64: 4, 24564>}, {pipeline_mode = #tpu.pipeline_mode<synchronous>, transform_indices = @transform_4, window_bounds = array<i64: 4, 24564>}, {transform_indices = @transform_5, window_bounds = array<i64: 8, 24576>}]} {
    %get3A = arith.constant 0 : index
    %get3A_0 = arith.constant 0 : index
    %get3A_1 = arith.constant 0 : index
    %get3A_2 = vector.load %arg1[%get3A, %get3A_0, %get3A_1] : memref<1x16x4xf32, #tpu.memory_space<vmem>>, vector<1x16x4xf32>
    %get3A_3 = vector.shape_cast %get3A_2 : vector<1x16x4xf32> to vector<16x4xf32>
    %slice3A = vector.extract_strided_slice %get3A_3 {offsets = [0, 0], sizes = [16, 1], strides = [1, 1]} : vector<16x4xf32> to vector<16x1xf32>
    %slice3A_4 = vector.extract_strided_slice %get3A_3 {offsets = [0, 1], sizes = [16, 1], strides = [1, 1]} : vector<16x4xf32> to vector<16x1xf32>
    %slice3A_5 = vector.extract_strided_slice %get3A_3 {offsets = [0, 2], sizes = [16, 1], strides = [1, 1]} : vector<16x4xf32> to vector<16x1xf32>
    %slice3A_6 = vector.extract_strided_slice %get3A_3 {offsets = [0, 3], sizes = [16, 1], strides = [1, 1]} : vector<16x4xf32> to vector<16x1xf32>
    %get3A_7 = arith.constant 0 : index
    %get3A_8 = arith.constant 0 : index
    %get3A_9 = vector.load %arg4[%get3A_7, %get3A_8] : memref<4x24564xf32, #tpu.memory_space<vmem>>, vector<1x24564xf32>
    %get3A_10 = arith.constant 1 : index
    %get3A_11 = arith.constant 0 : index
    %get3A_12 = vector.load %arg4[%get3A_10, %get3A_11] : memref<4x24564xf32, #tpu.memory_space<vmem>>, vector<1x24564xf32>
    %get3A_13 = arith.constant 2 : index
    %get3A_14 = arith.constant 0 : index
    %get3A_15 = vector.load %arg4[%get3A_13, %get3A_14] : memref<4x24564xf32, #tpu.memory_space<vmem>>, vector<1x24564xf32>
    %get3A_16 = arith.constant 3 : index
    %get3A_17 = arith.constant 0 : index
    %get3A_18 = vector.load %arg4[%get3A_16, %get3A_17] : memref<4x24564xf32, #tpu.memory_space<vmem>>, vector<1x24564xf32>
    %min3A = vector.broadcast %slice3A_5 : vector<16x1xf32> to vector<16x24564xf32>
    %min3A_19 = vector.broadcast %get3A_15 : vector<1x24564xf32> to vector<16x24564xf32>
    %min3A_20 = arith.minimumf %min3A, %min3A_19 : vector<16x24564xf32>
    %max3A = vector.broadcast %slice3A : vector<16x1xf32> to vector<16x24564xf32>
    %max3A_21 = vector.broadcast %get3A_9 : vector<1x24564xf32> to vector<16x24564xf32>
    %max3A_22 = arith.maximumf %max3A, %max3A_21 : vector<16x24564xf32>
    %sub3A = arith.subf %min3A_20, %max3A_22 : vector<16x24564xf32>
    %max3A_23 = arith.constant 0.000000e+00 : f32
    %max3A_24 = vector.broadcast %max3A_23 : f32 to vector<16x24564xf32>
    %max3A_25 = arith.maximumf %sub3A, %max3A_24 : vector<16x24564xf32>
    %min3A_26 = vector.broadcast %slice3A_6 : vector<16x1xf32> to vector<16x24564xf32>
    %min3A_27 = vector.broadcast %get3A_18 : vector<1x24564xf32> to vector<16x24564xf32>
    %min3A_28 = arith.minimumf %min3A_26, %min3A_27 : vector<16x24564xf32>
    %max3A_29 = vector.broadcast %slice3A_4 : vector<16x1xf32> to vector<16x24564xf32>
    %max3A_30 = vector.broadcast %get3A_12 : vector<1x24564xf32> to vector<16x24564xf32>
    %max3A_31 = arith.maximumf %max3A_29, %max3A_30 : vector<16x24564xf32>
    %sub3A_32 = arith.subf %min3A_28, %max3A_31 : vector<16x24564xf32>
    %max3A_33 = arith.constant 0.000000e+00 : f32
    %max3A_34 = vector.broadcast %max3A_33 : f32 to vector<16x24564xf32>
    %max3A_35 = arith.maximumf %sub3A_32, %max3A_34 : vector<16x24564xf32>
    %mul3A = arith.mulf %max3A_25, %max3A_35 : vector<16x24564xf32>
    %sub3A_36 = arith.subf %slice3A_5, %slice3A : vector<16x1xf32>
    %sub3A_37 = arith.subf %slice3A_6, %slice3A_4 : vector<16x1xf32>
    %mul3A_38 = arith.mulf %sub3A_36, %sub3A_37 : vector<16x1xf32>
    %sub3A_39 = arith.subf %get3A_15, %get3A_9 : vector<1x24564xf32>
    %sub3A_40 = arith.subf %get3A_18, %get3A_12 : vector<1x24564xf32>
    %mul3A_41 = arith.mulf %sub3A_39, %sub3A_40 : vector<1x24564xf32>
    %add3A = vector.broadcast %mul3A_38 : vector<16x1xf32> to vector<16x24564xf32>
    %add3A_42 = vector.broadcast %mul3A_41 : vector<1x24564xf32> to vector<16x24564xf32>
    %add3A_43 = arith.addf %add3A, %add3A_42 : vector<16x24564xf32>
    %sub3A_44 = arith.subf %add3A_43, %mul3A : vector<16x24564xf32>
    %div3A = arith.divf %mul3A, %sub3A_44 : vector<16x24564xf32>
    %iota3A = tpu.iota {dimensions = array<i32: 0>} : vector<16x24564xi32>
    %iota3A_45 = tpu.iota {dimensions = array<i32: 1>} : vector<16x24564xi32>
    %reduce_max3A = arith.constant dense<0xFF800000> : vector<24564xf32>
    %reduce_max3A_46 = vector.multi_reduction <maximumf>, %div3A, %reduce_max3A [0] : vector<16x24564xf32> to vector<24564xf32>
    %broadcast_in_dim3A = vector.shape_cast %reduce_max3A_46 : vector<24564xf32> to vector<1x24564xf32>
    %reduce_max3A_47 = arith.constant dense<0xFF800000> : vector<16xf32>
    %reduce_max3A_48 = vector.multi_reduction <maximumf>, %div3A, %reduce_max3A_47 [1] : vector<16x24564xf32> to vector<16xf32>
    %broadcast_in_dim3A_49 = vector.shape_cast %reduce_max3A_48 : vector<16xf32> to vector<16x1xf32>
    %eq3A = vector.broadcast %broadcast_in_dim3A_49 : vector<16x1xf32> to vector<16x24564xf32>
    %eq3A_50 = arith.cmpf oeq, %div3A, %eq3A : vector<16x24564xf32>
    %jit3A = arith.constant 24564 : i32
    %broadcast_in_dim3A_51 = vector.broadcast %jit3A : i32 to vector<16x24564xi32>
    %select_n3A = arith.select %eq3A_50, %iota3A_45, %broadcast_in_dim3A_51 : vector<16x24564xi1>, vector<16x24564xi32>
    %reduce_min3A = arith.constant dense<2147483647> : vector<16xi32>
    %reduce_min3A_52 = vector.multi_reduction <minsi>, %select_n3A, %reduce_min3A [1] : vector<16x24564xi32> to vector<16xi32>
    %broadcast_in_dim3A_53 = vector.shape_cast %reduce_min3A_52 : vector<16xi32> to vector<16x1xi32>
    %eq3A_54 = vector.broadcast %broadcast_in_dim3A_53 : vector<16x1xi32> to vector<16x24564xi32>
    %eq3A_55 = arith.cmpi eq, %eq3A_54, %iota3A_45 : vector<16x24564xi32>
    %jit3A_56 = arith.constant -1 : i32
    %broadcast_in_dim3A_57 = vector.broadcast %jit3A_56 : i32 to vector<16x24564xi32>
    %select_n3A_58 = arith.select %eq3A_55, %iota3A, %broadcast_in_dim3A_57 : vector<16x24564xi1>, vector<16x24564xi32>
    %reduce_max3A_59 = arith.constant dense<-2147483648> : vector<24564xi32>
    %reduce_max3A_60 = vector.multi_reduction <maxsi>, %select_n3A_58, %reduce_max3A_59 [0] : vector<16x24564xi32> to vector<24564xi32>
    %broadcast_in_dim3A_61 = vector.shape_cast %reduce_max3A_60 : vector<24564xi32> to vector<1x24564xi32>
    %ge3A = arith.constant 0 : i32
    %ge3A_62 = vector.broadcast %ge3A : i32 to vector<1x24564xi32>
    %ge3A_63 = arith.cmpi sge, %broadcast_in_dim3A_61, %ge3A_62 : vector<1x24564xi32>
    %jit3A_64 = arith.constant 1.000000e+00 : f32
    %broadcast_in_dim3A_65 = vector.broadcast %jit3A_64 : f32 to vector<1x24564xf32>
    %select_n3A_66 = arith.select %ge3A_63, %broadcast_in_dim3A_65, %broadcast_in_dim3A : vector<1x24564xi1>, vector<1x24564xf32>
    %eq3A_67 = vector.broadcast %broadcast_in_dim3A_61 : vector<1x24564xi32> to vector<16x24564xi32>
    %eq3A_68 = arith.cmpi eq, %iota3A, %eq3A_67 : vector<16x24564xi32>
    %and3A = arith.andi %eq3A_55, %eq3A_68 : vector<16x24564xi1>
    %convert_element_type3A = arith.extui %and3A : vector<16x24564xi1> to vector<16x24564xi32>
    %convert_element_type3A_69 = arith.sitofp %convert_element_type3A : vector<16x24564xi32> to vector<16x24564xf32>
    %eq3A_70 = vector.broadcast %broadcast_in_dim3A : vector<1x24564xf32> to vector<16x24564xf32>
    %eq3A_71 = arith.cmpf oeq, %div3A, %eq3A_70 : vector<16x24564xf32>
    %convert_element_type3A_72 = arith.extui %eq3A_71 : vector<16x24564xi1> to vector<16x24564xi32>
    %convert_element_type3A_73 = arith.sitofp %convert_element_type3A_72 : vector<16x24564xi32> to vector<16x24564xf32>
    %broadcast_in_dim3A_74 = vector.shape_cast %ge3A_63 : vector<1x24564xi1> to vector<1x24564xi1>
    %broadcast_in_dim3A_75 = vector.broadcast %broadcast_in_dim3A_74 : vector<1x24564xi1> to vector<16x24564xi1>
    %select_n3A_76 = arith.select %broadcast_in_dim3A_75, %convert_element_type3A_69, %convert_element_type3A_73 : vector<16x24564xi1>, vector<16x24564xf32>
    %get3A_77 = arith.constant 0 : index
    %get3A_78 = arith.constant 0 : index
    %get3A_79 = arith.constant 0 : index
    %get3A_80 = vector.load %arg3[%get3A_77, %get3A_78, %get3A_79] : memref<1x1x16xf32, #tpu.memory_space<vmem>>, vector<1x1x16xf32>
    %get3A_81 = vector.shape_cast %get3A_80 : vector<1x1x16xf32> to vector<1x16xf32>
    %dot_general3A = arith.constant dense<0.000000e+00> : vector<1x24564xf32>
    %dot_general3A_82 = tpu.matmul %get3A_81, %select_n3A_76, %dot_general3A {dimension_numbers = #tpu.dot_dimension_numbers<[1], [0], [0], [1], [0, 0, 1, 1], [], []>, transpose_lhs_hint = false} : vector<1x16xf32>, vector<16x24564xf32>, vector<1x24564xf32> -> vector<1x24564xf32>
    %add3A_83 = arith.constant 5.000000e-01 : f32
    %add3A_84 = vector.broadcast %add3A_83 : f32 to vector<1x24564xf32>
    %add3A_85 = arith.addf %dot_general3A_82, %add3A_84 : vector<1x24564xf32>
    %floor3A = math.floor %add3A_85 : vector<1x24564xf32>
    %get3A_86 = arith.constant 0 : index
    %get3A_87 = arith.constant 0 : index
    %get3A_88 = arith.constant 0 : index
    %get3A_89 = vector.load %arg2[%get3A_86, %get3A_87, %get3A_88] : memref<1x4x16xf32, #tpu.memory_space<vmem>>, vector<1x4x16xf32>
    %get3A_90 = vector.shape_cast %get3A_89 : vector<1x4x16xf32> to vector<4x16xf32>
    %dot_general3A_91 = arith.constant dense<0.000000e+00> : vector<4x24564xf32>
    %dot_general3A_92 = tpu.matmul %get3A_90, %select_n3A_76, %dot_general3A_91 {dimension_numbers = #tpu.dot_dimension_numbers<[1], [0], [0], [1], [0, 0, 1, 1], [], []>, transpose_lhs_hint = false} : vector<4x16xf32>, vector<16x24564xf32>, vector<4x24564xf32> -> vector<4x24564xf32>
    %lt3A = arith.constant 5.000000e-01 : f32
    %lt3A_93 = vector.broadcast %lt3A : f32 to vector<1x24564xf32>
    %lt3A_94 = arith.cmpf olt, %select_n3A_66, %lt3A_93 : vector<1x24564xf32>
    %jit3A_95 = arith.constant 0.000000e+00 : f32
    %broadcast_in_dim3A_96 = vector.broadcast %jit3A_95 : f32 to vector<1x24564xf32>
    %select_n3A_97 = arith.select %lt3A_94, %broadcast_in_dim3A_96, %floor3A : vector<1x24564xi1>, vector<1x24564xf32>
    %get3A_98 = arith.constant 0 : index
    %get3A_99 = arith.constant 0 : index
    %get3A_100 = vector.load %arg5[%get3A_98, %get3A_99] : memref<4x24564xf32, #tpu.memory_space<vmem>>, vector<1x24564xf32>
    %get3A_101 = arith.constant 1 : index
    %get3A_102 = arith.constant 0 : index
    %get3A_103 = vector.load %arg5[%get3A_101, %get3A_102] : memref<4x24564xf32, #tpu.memory_space<vmem>>, vector<1x24564xf32>
    %get3A_104 = arith.constant 2 : index
    %get3A_105 = arith.constant 0 : index
    %get3A_106 = vector.load %arg5[%get3A_104, %get3A_105] : memref<4x24564xf32, #tpu.memory_space<vmem>>, vector<1x24564xf32>
    %get3A_107 = arith.constant 3 : index
    %get3A_108 = arith.constant 0 : index
    %get3A_109 = vector.load %arg5[%get3A_107, %get3A_108] : memref<4x24564xf32, #tpu.memory_space<vmem>>, vector<1x24564xf32>
    %slice3A_110 = vector.extract_strided_slice %dot_general3A_92 {offsets = [0, 0], sizes = [1, 24564], strides = [1, 1]} : vector<4x24564xf32> to vector<1x24564xf32>
    %sub3A_111 = arith.subf %slice3A_110, %get3A_100 : vector<1x24564xf32>
    %div3A_112 = arith.constant 1.000000e+01 : f32
    %div3A_113 = vector.broadcast %div3A_112 : f32 to vector<1x24564xf32>
    %div3A_114 = arith.divf %get3A_106, %div3A_113 : vector<1x24564xf32>
    %add3A_115 = arith.constant 9.99999997E-7 : f32
    %add3A_116 = vector.broadcast %add3A_115 : f32 to vector<1x24564xf32>
    %add3A_117 = arith.addf %div3A_114, %add3A_116 : vector<1x24564xf32>
    %div3A_118 = arith.divf %sub3A_111, %add3A_117 : vector<1x24564xf32>
    %slice3A_119 = vector.extract_strided_slice %dot_general3A_92 {offsets = [1, 0], sizes = [1, 24564], strides = [1, 1]} : vector<4x24564xf32> to vector<1x24564xf32>
    %sub3A_120 = arith.subf %slice3A_119, %get3A_103 : vector<1x24564xf32>
    %div3A_121 = arith.constant 1.000000e+01 : f32
    %div3A_122 = vector.broadcast %div3A_121 : f32 to vector<1x24564xf32>
    %div3A_123 = arith.divf %get3A_109, %div3A_122 : vector<1x24564xf32>
    %add3A_124 = arith.constant 9.99999997E-7 : f32
    %add3A_125 = vector.broadcast %add3A_124 : f32 to vector<1x24564xf32>
    %add3A_126 = arith.addf %div3A_123, %add3A_125 : vector<1x24564xf32>
    %div3A_127 = arith.divf %sub3A_120, %add3A_126 : vector<1x24564xf32>
    %slice3A_128 = vector.extract_strided_slice %dot_general3A_92 {offsets = [2, 0], sizes = [1, 24564], strides = [1, 1]} : vector<4x24564xf32> to vector<1x24564xf32>
    %div3A_129 = arith.divf %slice3A_128, %get3A_106 : vector<1x24564xf32>
    %add3A_130 = arith.constant 9.99999997E-7 : f32
    %add3A_131 = vector.broadcast %add3A_130 : f32 to vector<1x24564xf32>
    %add3A_132 = arith.addf %div3A_129, %add3A_131 : vector<1x24564xf32>
    %log3A = math.log %add3A_132 : vector<1x24564xf32>
    %mul3A_133 = arith.constant 5.000000e+00 : f32
    %mul3A_134 = vector.broadcast %mul3A_133 : f32 to vector<1x24564xf32>
    %mul3A_135 = arith.mulf %log3A, %mul3A_134 : vector<1x24564xf32>
    %slice3A_136 = vector.extract_strided_slice %dot_general3A_92 {offsets = [3, 0], sizes = [1, 24564], strides = [1, 1]} : vector<4x24564xf32> to vector<1x24564xf32>
    %div3A_137 = arith.divf %slice3A_136, %get3A_109 : vector<1x24564xf32>
    %add3A_138 = arith.constant 9.99999997E-7 : f32
    %add3A_139 = vector.broadcast %add3A_138 : f32 to vector<1x24564xf32>
    %add3A_140 = arith.addf %div3A_137, %add3A_139 : vector<1x24564xf32>
    %log3A_141 = math.log %add3A_140 : vector<1x24564xf32>
    %mul3A_142 = arith.constant 5.000000e+00 : f32
    %mul3A_143 = vector.broadcast %mul3A_142 : f32 to vector<1x24564xf32>
    %mul3A_144 = arith.mulf %log3A_141, %mul3A_143 : vector<1x24564xf32>
    %concatenate3A = tpu.concatenate %div3A_118, %div3A_127, %mul3A_135, %mul3A_144 in 0 : vector<1x24564xf32>, vector<1x24564xf32>, vector<1x24564xf32>, vector<1x24564xf32> -> vector<4x24564xf32>
    %broadcast_in_dim3A_145 = arith.constant 0.000000e+00 : f32
    %broadcast_in_dim3A_146 = vector.broadcast %broadcast_in_dim3A_145 : f32 to vector<8x128xf32>
    %swap3A = arith.constant 0 : index
    %swap3A_147 = arith.constant 24448 : index
    %swap3A_148 = vector.load %arg6[%swap3A, %swap3A_147] : memref<8x24576xf32, #tpu.memory_space<vmem>>, vector<8x128xf32>
    tpu.vector_store %arg6[%swap3A, %swap3A_147], %broadcast_in_dim3A_146 {strides = array<i32>} : memref<8x24576xf32, #tpu.memory_space<vmem>>, vector<8x128xf32>,
    %swap3A_149 = arith.constant 0 : index
    %swap3A_150 = arith.constant 0 : index
    %swap3A_151 = vector.load %arg6[%swap3A_149, %swap3A_150] : memref<8x24576xf32, #tpu.memory_space<vmem>>, vector<4x24564xf32>
    tpu.vector_store %arg6[%swap3A_149, %swap3A_150], %concatenate3A {strides = array<i32>} : memref<8x24576xf32, #tpu.memory_space<vmem>>, vector<4x24564xf32>,
    %squeeze3A = vector.shape_cast %select_n3A_97 : vector<1x24564xf32> to vector<24564xf32>
    %swap3A_152 = arith.constant 4 : index
    %swap3A_153 = arith.constant 0 : index
    %swap3A_154 = vector.load %arg6[%swap3A_152, %swap3A_153] : memref<8x24576xf32, #tpu.memory_space<vmem>>, vector<1x24564xf32>
    %swap3A_155 = vector.shape_cast %swap3A_154 : vector<1x24564xf32> to vector<24564xf32>
    %swap3A_156 = vector.shape_cast %squeeze3A : vector<24564xf32> to vector<1x24564xf32>
    tpu.vector_store %arg6[%swap3A_152, %swap3A_153], %swap3A_156 {strides = array<i32>} : memref<8x24576xf32, #tpu.memory_space<vmem>>, vector<1x24564xf32>,
    return
  }
  func.func @transform_0(%arg0: i32) -> (i32, i32, i32) {
    %c0_i32 = arith.constant 0 : i32
    %c0_i32_0 = arith.constant 0 : i32
    %c0_i32_1 = arith.constant 0 : i32
    return %arg0, %c0_i32, %c0_i32_0 : i32, i32, i32
  }
  func.func @transform_1(%arg0: i32) -> (i32, i32, i32) {
    %c0_i32 = arith.constant 0 : i32
    %c0_i32_0 = arith.constant 0 : i32
    %c0_i32_1 = arith.constant 0 : i32
    return %arg0, %c0_i32, %c0_i32_0 : i32, i32, i32
  }
  func.func @transform_2(%arg0: i32) -> (i32, i32, i32) {
    %c0_i32 = arith.constant 0 : i32
    %c0_i32_0 = arith.constant 0 : i32
    %c0_i32_1 = arith.constant 0 : i32
    return %arg0, %c0_i32, %c0_i32_0 : i32, i32, i32
  }
  func.func @transform_3(%arg0: i32) -> (i32, i32) {
    %c0_i32 = arith.constant 0 : i32
    %c0_i32_0 = arith.constant 0 : i32
    %c0_i32_1 = arith.constant 0 : i32
    return %c0_i32, %c0_i32_0 : i32, i32
  }
  func.func @transform_4(%arg0: i32) -> (i32, i32) {
    %c0_i32 = arith.constant 0 : i32
    %c0_i32_0 = arith.constant 0 : i32
    %c0_i32_1 = arith.constant 0 : i32
    return %c0_i32, %c0_i32_0 : i32, i32
  }
  func.func @transform_5(%arg0: i32) -> (i32, i32) {
    %c0_i32 = arith.constant 0 : i32
    %c0_i32_0 = arith.constant 0 : i32
    return %arg0, %c0_i32 : i32, i32
  }
}

module attributes {stable_mosaic.version = 14 : i64} {
  func.func @_dense_body(%arg0: i32, %arg1: memref<1x21x24564xf32, #tpu.memory_space<vmem>>, %arg2: memref<1x4x24564xf32, #tpu.memory_space<vmem>>, %arg3: memref<8x24576xf32, #tpu.memory_space<vmem>>, %arg4: memref<1x1x128xf32, #tpu.memory_space<vmem>>, %arg5: memref<8x24576xf32, #tpu.memory_space<vmem>>) attributes {dimension_semantics = [#tpu.dimension_semantics<arbitrary>], iteration_bounds = array<i64: 32>, scalar_prefetch = 0 : i64, scratch_operands = 0 : i64, tpu.core_type = #tpu.core_type<tc>, window_params = [{transform_indices = @transform_0, window_bounds = array<i64: 1, 21, 24564>}, {transform_indices = @transform_1, window_bounds = array<i64: 1, 4, 24564>}, {transform_indices = @transform_2, window_bounds = array<i64: 8, 24576>}, {transform_indices = @transform_3, window_bounds = array<i64: 1, 1, 128>}, {transform_indices = @transform_4, window_bounds = array<i64: 8, 24576>}]} {
    %get3A = arith.constant 0 : index
    %get3A_0 = arith.constant 0 : index
    %get3A_1 = arith.constant 0 : index
    %get3A_2 = vector.load %arg1[%get3A, %get3A_0, %get3A_1] : memref<1x21x24564xf32, #tpu.memory_space<vmem>>, vector<1x21x24564xf32>
    %get3A_3 = vector.shape_cast %get3A_2 : vector<1x21x24564xf32> to vector<21x24564xf32>
    %get3A_4 = arith.constant 0 : index
    %get3A_5 = arith.constant 0 : index
    %get3A_6 = arith.constant 0 : index
    %get3A_7 = vector.load %arg2[%get3A_4, %get3A_5, %get3A_6] : memref<1x4x24564xf32, #tpu.memory_space<vmem>>, vector<1x4x24564xf32>
    %get3A_8 = vector.shape_cast %get3A_7 : vector<1x4x24564xf32> to vector<4x24564xf32>
    %get3A_9 = arith.constant 0 : index
    %get3A_10 = arith.constant 0 : index
    %get3A_11 = vector.load %arg3[%get3A_9, %get3A_10] : memref<8x24576xf32, #tpu.memory_space<vmem>>, vector<4x24564xf32>
    %get3A_12 = arith.constant 4 : index
    %get3A_13 = arith.constant 0 : index
    %get3A_14 = vector.load %arg3[%get3A_12, %get3A_13] : memref<8x24576xf32, #tpu.memory_space<vmem>>, vector<1x24564xf32>
    %ne3A = arith.constant 0.000000e+00 : f32
    %ne3A_15 = vector.broadcast %ne3A : f32 to vector<1x24564xf32>
    %ne3A_16 = arith.cmpf one, %get3A_14, %ne3A_15 : vector<1x24564xf32>
    %sub3A = arith.subf %get3A_8, %get3A_11 : vector<4x24564xf32>
    %abs3A = math.absf %sub3A : vector<4x24564xf32>
    %lt3A = arith.constant 1.000000e+00 : f32
    %lt3A_17 = vector.broadcast %lt3A : f32 to vector<4x24564xf32>
    %lt3A_18 = arith.cmpf olt, %abs3A, %lt3A_17 : vector<4x24564xf32>
    %mul3A = arith.constant 5.000000e-01 : f32
    %mul3A_19 = vector.broadcast %mul3A : f32 to vector<4x24564xf32>
    %mul3A_20 = arith.mulf %mul3A_19, %sub3A : vector<4x24564xf32>
    %mul3A_21 = arith.mulf %mul3A_20, %sub3A : vector<4x24564xf32>
    %sub3A_22 = arith.constant 5.000000e-01 : f32
    %sub3A_23 = vector.broadcast %sub3A_22 : f32 to vector<4x24564xf32>
    %sub3A_24 = arith.subf %abs3A, %sub3A_23 : vector<4x24564xf32>
    %select_n3A = arith.select %lt3A_18, %mul3A_21, %sub3A_24 : vector<4x24564xi1>, vector<4x24564xf32>
    %jit3A = arith.constant 0.000000e+00 : f32
    %broadcast_in_dim3A = vector.shape_cast %ne3A_16 : vector<1x24564xi1> to vector<1x24564xi1>
    %broadcast_in_dim3A_25 = vector.broadcast %broadcast_in_dim3A : vector<1x24564xi1> to vector<4x24564xi1>
    %broadcast_in_dim3A_26 = vector.broadcast %jit3A : f32 to vector<4x24564xf32>
    %select_n3A_27 = arith.select %broadcast_in_dim3A_25, %select_n3A, %broadcast_in_dim3A_26 : vector<4x24564xi1>, vector<4x24564xf32>
    %reduce_sum3A = vector.shape_cast %select_n3A_27 : vector<4x24564xf32> to vector<1x4x24564xf32>
    %reduce_sum3A_28 = arith.constant dense<0.000000e+00> : vector<1xf32>
    %reduce_sum3A_29 = vector.multi_reduction <add>, %reduce_sum3A, %reduce_sum3A_28 [1, 2] : vector<1x4x24564xf32> to vector<1xf32>
    %reduce_sum3A_30 = vector.shape_cast %reduce_sum3A_29 : vector<1xf32> to vector<1x1x1xf32>
    %reduce_sum3A_31 = vector.extract %reduce_sum3A_30[0, 0, 0] : f32 from vector<1x1x1xf32>
    %reduce_max3A = arith.constant dense<0xFF800000> : vector<24564xf32>
    %reduce_max3A_32 = vector.multi_reduction <maximumf>, %get3A_3, %reduce_max3A [0] : vector<21x24564xf32> to vector<24564xf32>
    %broadcast_in_dim3A_33 = vector.shape_cast %reduce_max3A_32 : vector<24564xf32> to vector<1x24564xf32>
    %sub3A_34 = vector.broadcast %broadcast_in_dim3A_33 : vector<1x24564xf32> to vector<21x24564xf32>
    %sub3A_35 = arith.subf %get3A_3, %sub3A_34 : vector<21x24564xf32>
    %exp3A = math.exp %sub3A_35 : vector<21x24564xf32>
    %reduce_sum3A_36 = arith.constant dense<0.000000e+00> : vector<24564xf32>
    %reduce_sum3A_37 = vector.multi_reduction <add>, %exp3A, %reduce_sum3A_36 [0] : vector<21x24564xf32> to vector<24564xf32>
    %broadcast_in_dim3A_38 = vector.shape_cast %reduce_sum3A_37 : vector<24564xf32> to vector<1x24564xf32>
    %log3A = math.log %broadcast_in_dim3A_38 : vector<1x24564xf32>
    %add3A = arith.addf %broadcast_in_dim3A_33, %log3A : vector<1x24564xf32>
    %iota3A = tpu.iota {dimensions = array<i32: 0>} : vector<21x24564xi32>
    %convert_element_type3A = arith.fptosi %get3A_14 : vector<1x24564xf32> to vector<1x24564xi32>
    %eq3A = vector.broadcast %convert_element_type3A : vector<1x24564xi32> to vector<21x24564xi32>
    %eq3A_39 = arith.cmpi eq, %iota3A, %eq3A : vector<21x24564xi32>
    %jit3A_40 = arith.constant 0.000000e+00 : f32
    %broadcast_in_dim3A_41 = vector.broadcast %jit3A_40 : f32 to vector<21x24564xf32>
    %select_n3A_42 = arith.select %eq3A_39, %get3A_3, %broadcast_in_dim3A_41 : vector<21x24564xi1>, vector<21x24564xf32>
    %reduce_sum3A_43 = arith.constant dense<0.000000e+00> : vector<24564xf32>
    %reduce_sum3A_44 = vector.multi_reduction <add>, %select_n3A_42, %reduce_sum3A_43 [0] : vector<21x24564xf32> to vector<24564xf32>
    %broadcast_in_dim3A_45 = vector.shape_cast %reduce_sum3A_44 : vector<24564xf32> to vector<1x24564xf32>
    %sub3A_46 = arith.subf %add3A, %broadcast_in_dim3A_45 : vector<1x24564xf32>
    %jit3A_47 = arith.constant 1.000000e+00 : f32
    %jit3A_48 = arith.constant 0.000000e+00 : f32
    %broadcast_in_dim3A_49 = vector.broadcast %jit3A_47 : f32 to vector<1x24564xf32>
    %broadcast_in_dim3A_50 = vector.broadcast %jit3A_48 : f32 to vector<1x24564xf32>
    %select_n3A_51 = arith.select %ne3A_16, %broadcast_in_dim3A_49, %broadcast_in_dim3A_50 : vector<1x24564xi1>, vector<1x24564xf32>
    %reduce_sum3A_52 = vector.shape_cast %select_n3A_51 : vector<1x24564xf32> to vector<1x1x24564xf32>
    %reduce_sum3A_53 = arith.constant dense<0.000000e+00> : vector<1xf32>
    %reduce_sum3A_54 = vector.multi_reduction <add>, %reduce_sum3A_52, %reduce_sum3A_53 [1, 2] : vector<1x1x24564xf32> to vector<1xf32>
    %reduce_sum3A_55 = vector.shape_cast %reduce_sum3A_54 : vector<1xf32> to vector<1x1x1xf32>
    %reduce_sum3A_56 = vector.extract %reduce_sum3A_55[0, 0, 0] : f32 from vector<1x1x1xf32>
    %jit3A_57 = arith.constant 0.000000e+00 : f32
    %broadcast_in_dim3A_58 = vector.broadcast %jit3A_57 : f32 to vector<1x24564xf32>
    %select_n3A_59 = arith.select %ne3A_16, %sub3A_46, %broadcast_in_dim3A_58 : vector<1x24564xi1>, vector<1x24564xf32>
    %reduce_sum3A_60 = vector.shape_cast %select_n3A_59 : vector<1x24564xf32> to vector<1x1x24564xf32>
    %reduce_sum3A_61 = arith.constant dense<0.000000e+00> : vector<1xf32>
    %reduce_sum3A_62 = vector.multi_reduction <add>, %reduce_sum3A_60, %reduce_sum3A_61 [1, 2] : vector<1x1x24564xf32> to vector<1xf32>
    %reduce_sum3A_63 = vector.shape_cast %reduce_sum3A_62 : vector<1xf32> to vector<1x1x1xf32>
    %reduce_sum3A_64 = vector.extract %reduce_sum3A_63[0, 0, 0] : f32 from vector<1x1x1xf32>
    %broadcast_in_dim3A_65 = arith.constant 0.000000e+00 : f32
    %broadcast_in_dim3A_66 = vector.broadcast %broadcast_in_dim3A_65 : f32 to vector<8x128xf32>
    %swap3A = arith.constant 0 : index
    %swap3A_67 = arith.constant 24448 : index
    %swap3A_68 = vector.load %arg5[%swap3A, %swap3A_67] : memref<8x24576xf32, #tpu.memory_space<vmem>>, vector<8x128xf32>
    tpu.vector_store %arg5[%swap3A, %swap3A_67], %broadcast_in_dim3A_66 {strides = array<i32>} : memref<8x24576xf32, #tpu.memory_space<vmem>>, vector<8x128xf32>,
    %squeeze3A = vector.shape_cast %sub3A_46 : vector<1x24564xf32> to vector<24564xf32>
    %swap3A_69 = arith.constant 0 : index
    %swap3A_70 = arith.constant 0 : index
    %swap3A_71 = vector.load %arg5[%swap3A_69, %swap3A_70] : memref<8x24576xf32, #tpu.memory_space<vmem>>, vector<1x24564xf32>
    %swap3A_72 = vector.shape_cast %swap3A_71 : vector<1x24564xf32> to vector<24564xf32>
    %swap3A_73 = vector.shape_cast %squeeze3A : vector<24564xf32> to vector<1x24564xf32>
    tpu.vector_store %arg5[%swap3A_69, %swap3A_70], %swap3A_73 {strides = array<i32>} : memref<8x24576xf32, #tpu.memory_space<vmem>>, vector<1x24564xf32>,
    %squeeze3A_74 = vector.shape_cast %select_n3A_51 : vector<1x24564xf32> to vector<24564xf32>
    %swap3A_75 = arith.constant 1 : index
    %swap3A_76 = arith.constant 0 : index
    %swap3A_77 = vector.load %arg5[%swap3A_75, %swap3A_76] : memref<8x24576xf32, #tpu.memory_space<vmem>>, vector<1x24564xf32>
    %swap3A_78 = vector.shape_cast %swap3A_77 : vector<1x24564xf32> to vector<24564xf32>
    %swap3A_79 = vector.shape_cast %squeeze3A_74 : vector<24564xf32> to vector<1x24564xf32>
    tpu.vector_store %arg5[%swap3A_75, %swap3A_76], %swap3A_79 {strides = array<i32>} : memref<8x24576xf32, #tpu.memory_space<vmem>>, vector<1x24564xf32>,
    %iota3A_80 = tpu.iota {dimensions = array<i32: 1>} : vector<1x128xi32>
    %eq3A_81 = arith.constant 0 : i32
    %eq3A_82 = vector.broadcast %eq3A_81 : i32 to vector<1x128xi32>
    %eq3A_83 = arith.cmpi eq, %iota3A_80, %eq3A_82 : vector<1x128xi32>
    %jit3A_84 = arith.constant 0.000000e+00 : f32
    %broadcast_in_dim3A_85 = vector.broadcast %reduce_sum3A_31 : f32 to vector<1x128xf32>
    %broadcast_in_dim3A_86 = vector.broadcast %jit3A_84 : f32 to vector<1x128xf32>
    %select_n3A_87 = arith.select %eq3A_83, %broadcast_in_dim3A_85, %broadcast_in_dim3A_86 : vector<1x128xi1>, vector<1x128xf32>
    %eq3A_88 = arith.constant 1 : i32
    %eq3A_89 = vector.broadcast %eq3A_88 : i32 to vector<1x128xi32>
    %eq3A_90 = arith.cmpi eq, %iota3A_80, %eq3A_89 : vector<1x128xi32>
    %broadcast_in_dim3A_91 = vector.broadcast %reduce_sum3A_56 : f32 to vector<1x128xf32>
    %select_n3A_92 = arith.select %eq3A_90, %broadcast_in_dim3A_91, %select_n3A_87 : vector<1x128xi1>, vector<1x128xf32>
    %eq3A_93 = arith.constant 2 : i32
    %eq3A_94 = vector.broadcast %eq3A_93 : i32 to vector<1x128xi32>
    %eq3A_95 = arith.cmpi eq, %iota3A_80, %eq3A_94 : vector<1x128xi32>
    %broadcast_in_dim3A_96 = vector.broadcast %reduce_sum3A_64 : f32 to vector<1x128xf32>
    %select_n3A_97 = arith.select %eq3A_95, %broadcast_in_dim3A_96, %select_n3A_92 : vector<1x128xi1>, vector<1x128xf32>
    %swap3A_98 = arith.constant 0 : index
    %swap3A_99 = arith.constant 0 : index
    %swap3A_100 = arith.constant 0 : index
    %swap3A_101 = vector.load %arg4[%swap3A_98, %swap3A_99, %swap3A_100] : memref<1x1x128xf32, #tpu.memory_space<vmem>>, vector<1x1x128xf32>
    %swap3A_102 = vector.shape_cast %swap3A_101 : vector<1x1x128xf32> to vector<1x128xf32>
    %swap3A_103 = vector.shape_cast %select_n3A_97 : vector<1x128xf32> to vector<1x1x128xf32>
    tpu.vector_store %arg4[%swap3A_98, %swap3A_99, %swap3A_100], %swap3A_103 {strides = array<i32>} : memref<1x1x128xf32, #tpu.memory_space<vmem>>, vector<1x1x128xf32>,
    return
  }
  func.func @transform_0(%arg0: i32) -> (i32, i32, i32) {
    %c0_i32 = arith.constant 0 : i32
    %c0_i32_0 = arith.constant 0 : i32
    %c0_i32_1 = arith.constant 0 : i32
    return %arg0, %c0_i32, %c0_i32_0 : i32, i32, i32
  }
  func.func @transform_1(%arg0: i32) -> (i32, i32, i32) {
    %c0_i32 = arith.constant 0 : i32
    %c0_i32_0 = arith.constant 0 : i32
    %c0_i32_1 = arith.constant 0 : i32
    return %arg0, %c0_i32, %c0_i32_0 : i32, i32, i32
  }
  func.func @transform_2(%arg0: i32) -> (i32, i32) {
    %c0_i32 = arith.constant 0 : i32
    %c0_i32_0 = arith.constant 0 : i32
    return %arg0, %c0_i32 : i32, i32
  }
  func.func @transform_3(%arg0: i32) -> (i32, i32, i32) {
    %c0_i32 = arith.constant 0 : i32
    %c0_i32_0 = arith.constant 0 : i32
    %c0_i32_1 = arith.constant 0 : i32
    return %arg0, %c0_i32, %c0_i32_0 : i32, i32, i32
  }
  func.func @transform_4(%arg0: i32) -> (i32, i32) {
    %c0_i32 = arith.constant 0 : i32
    %c0_i32_0 = arith.constant 0 : i32
    return %arg0, %c0_i32 : i32, i32
  }
}

</mosaic_0001>

<sc_bundles>
// kernel: kernel.5.cloned.1.call-start
scs
__scs_entry_jumppad:
0x0: {  	(pc) =	sbr.rel $0x88, $3  }
0x1: {  	(tag) =	ssettag $0x0;
	lr =	simm.s32 $0x1  }
0x2: {  	[smem:$0x3F9C] =	sst lr;
	_ =	strace $0xD0000000  }
0x3: {  	_ = 	snop  }
0x4: {  	_ = 	snop  }
0x5: {  	_ = 	snop  }
0x6: {  	_ = 	snop  }
0x7: {  	_ = 	snop  }
__scs_overlays_trampoline_lowered:
0x8: {  	[smem:$0x3FAB] =	sst s0  }
0x9: {  	[smem:$0x3FAC] =	sst s1  }
0xa: {  	[smem:$0x3FAD] =	sst s2  }
0xb: {  	[smem:$0x3FAE] =	sst s3  }
0xc: {  	[smem:$0x3FAF] =	sst s4  }
0xd: {  	[smem:$0x3FB0] =	sst s5  }
0xe: {  	[smem:$0x3FB1] =	sst s6  }
0xf: {  	[smem:$0x3FB2] =	sst s7  }
0x10: {  	[smem:$0x3FB3] =	sst s8  }
0x11: {  	[smem:$0x3FB4] =	sst s9;
	s0 =	simm.s32 @!p0 $0x0  }
0x12: {  	s1 =	sld [smem:$0x3F9A];
	s0 =	simm.s32 @p0 $0x1  }
0x13: {  	[smem:$0x3FB5] =	sst s0;
	s0 =	simm.s32 @!p1 $0x0  }
0x14: {  	s2 =	sld [smem:$0x3F99];
	s0 =	simm.s32 @p1 $0x1  }
0x15: {  	[smem:$0x3FB6] =	sst s0;
	s0 =	simm.s32 @!p2 $0x0  }
0x16: {  	s3 =	sld [smem:$0x3FDB];
	s0 =	simm.s32 @p2 $0x1  }
0x17: {  	s4 =	simm.s32 $0x1BF5;
	[smem:$0x3FB8] =	sst s0  }
0x18: {  	s0 =	sld [smem:$0x3F9B];
	_ =	swait.ge [sflag:s4], $0x0  }
0x19: {  	s7 =	sld [smem:$0x3F9C]  }
0x1a: {  	s8 =	sadd.s32 $0xFFFFE003, lr  }
0x1b: {  	s9 =	sadd.s32 $0xFFFFFEF7, lr;
	s5 =	simm.s32 $0xFFFFFFFF;
	p2 =	slt.u32 s8, $0xFFFFF086  }
0x1c: {  	p1 =	slt.u32 s9, $0xF7A;
	s5 =	simm.s32 @!p2 $0x0  }
0x1d: {  	s5 =	simm.s32 @p1 $0x1;
	p0 =	seq.s32 s7, s2  }
0x1e: {  	s7 =	smul.u32 @!p0 $0xF7A, s2;
	p2 =	seq.s32 @!p0 s5, $0x0  }
0x1f: {  	s9 =	smul.u32 $0xF7A, s1;
	s8 =	simm.s32 @!p0 $0x1BF5;
	p2 =	por !p2, p0  }
0x20: {  	[sflag:s8] =	ssyncset.s32 @!p0 $0xFFFFF086;
	s6 =	sadd.s32 @!p0 s3, s7;
	s7 =	simm.s32 @!p0 $0x108  }
0x21: {  	s3 =	sadd.s32 s3, s9;
	s6 =	sadd.s32 @!p0 $0x88, s6;
	s7 =	simm.s32 @p2 $0x1082  }
0x22: {  	[simem:s7], [sflag:s8] =	dma.local @!p0 [hbm:s6], $0xF7A  }
0x23: {  	s9 =	sor.u32 $0xD0000000, s2;
	s6 =	simm.s32 $0x108;
	_ =	swait.ge @!p0 [sflag:s8], $0x0  }
0x24: {  	s3 =	sadd.s32 $0x88, s3;
	s6 =	simm.s32 @!p1 $0x1082;
	[sflag:s4] =	ssyncset.s32 $0xFFFFF086  }
0x25: {  	[simem:s6], [sflag:s4] =	dma.local [hbm:s3], $0xF7A  }
0x26: {  	[smem:$0x3F9C] =	sst s1;
	(tag) =	ssettag s2;
	_ =	strace s9  }
0x27: {  	s1 =	sld [smem:$0x3FAC]  }
0x28: {  	s2 =	sld [smem:$0x3FAD]  }
0x29: {  	s4 =	sld [smem:$0x3FAF]  }
0x2a: {  	p0 =	seq.s32 s5, $0x0;
	s5 =	sld [smem:$0x3FB0]  }
0x2b: {  	s6 =	sld [smem:$0x3FB1]  }
0x2c: {  	s7 =	sld [smem:$0x3FB2]  }
0x2d: {  	s3 =	simm.s32 $0x108;
	s8 =	sld [smem:$0x3FB3]  }
0x2e: {  	s3 =	simm.s32 @!p0 $0x1082;
	s9 =	sld [smem:$0x3FB4]  }
0x2f: {  	lr =	sadd.s32 s0, s3;
	s0 =	sld [smem:$0x3FAB]  }
0x30: {  	s3 =	sld [smem:$0x3FAE]  }
0x31: {  	[smem:$0x3FB7] =	sst s10  }
0x32: {  	s10 =	sld [smem:$0x3FB5];
	_ =	sdelay $0x3  }
0x33: {  	p0 =	seq.s32 s10, $0x1;
	s10 =	sld [smem:$0x3FB7];
	_ =	sdelay $0x3  }
0x34: {  	[smem:$0x3FB7] =	sst s10  }
0x35: {  	s10 =	sld [smem:$0x3FB6];
	_ =	sdelay $0x3  }
0x36: {  	p1 =	seq.s32 s10, $0x1;
	s10 =	sld [smem:$0x3FB7];
	_ =	sdelay $0x3  }
0x37: {  	[smem:$0x3FB7] =	sst s10  }
0x38: {  	s10 =	sld [smem:$0x3FB8]  }
0x39: {  	_ = 	snop;
	(pc) =	sbr.ind lr, $3  }
0x3a: {  	_ = 	snop  }
0x3b: {  	_ = 	snop  }
0x3c: {  	p2 =	seq.s32 s10, $0x1;
	s10 =	sld [smem:$0x3FB7]  }
0x3d: {  	_ =	shalt  }
0x3e: {  	_ =	shalt  }
0x3f: {  	_ =	shalt  }
0x40: {  	_ =	shalt  }
0x41: {  	_ =	shalt  }
0x42: {  	_ =	shalt  }
0x43: {  	_ =	shalt  }
0x44: {  	_ =	shalt  }
0x45: {  	_ =	shalt  }
0x46: {  	_ =	shalt  }
0x47: {  	_ =	shalt  }
0x48: {  	_ =	shalt  }
0x49: {  	_ =	shalt  }
0x4a: {  	_ =	shalt  }
0x4b: {  	_ =	shalt  }
0x4c: {  	_ =	shalt  }
0x4d: {  	_ =	shalt  }
0x4e: {  	_ =	shalt  }
0x4f: {  	_ =	shalt  }
0x50: {  	_ =	shalt  }
0x51: {  	_ =	shalt  }
0x52: {  	_ =	shalt  }
0x53: {  	_ =	shalt  }
0x54: {  	_ =	shalt  }
0x55: {  	_ =	shalt  }
0x56: {  	_ =	shalt  }
0x57: {  	_ =	shalt  }
0x58: {  	_ =	shalt  }
0x59: {  	_ =	shalt  }
0x5a: {  	_ =	shalt  }
0x5b: {  	_ =	shalt  }
0x5c: {  	_ =	shalt  }
0x5d: {  	_ =	shalt  }
0x5e: {  	_ =	shalt  }
0x5f: {  	_ =	shalt  }
0x60: {  	_ =	shalt  }
0x61: {  	_ =	shalt  }
0x62: {  	_ =	shalt  }
0x63: {  	_ =	shalt  }
0x64: {  	_ =	shalt  }
0x65: {  	_ =	shalt  }
0x66: {  	_ =	shalt  }
0x67: {  	_ =	shalt  }
0x68: {  	_ =	shalt  }
0x69: {  	_ =	shalt  }
0x6a: {  	_ =	shalt  }
0x6b: {  	_ =	shalt  }
0x6c: {  	_ =	shalt  }
0x6d: {  	_ =	shalt  }
0x6e: {  	_ =	shalt  }
0x6f: {  	_ =	shalt  }
0x70: {  	_ =	shalt  }
0x71: {  	_ =	shalt  }
0x72: {  	_ =	shalt  }
0x73: {  	_ =	shalt  }
0x74: {  	_ =	shalt  }
0x75: {  	_ =	shalt  }
0x76: {  	_ =	shalt  }
0x77: {  	_ =	shalt  }
0x78: {  	_ =	shalt  }
0x79: {  	_ =	shalt  }
0x7a: {  	_ =	shalt  }
0x7b: {  	_ =	shalt  }
0x7c: {  	_ =	shalt  }
0x7d: {  	_ =	shalt  }
0x7e: {  	_ =	shalt  }
0x7f: {  	_ =	shalt  }
0x80: {  	_ =	shalt  }
0x81: {  	_ =	shalt  }
0x82: {  	_ =	shalt  }
0x83: {  	_ =	shalt  }
0x84: {  	_ =	shalt  }
0x85: {  	_ =	shalt  }
0x86: {  	_ =	shalt  }
0x87: {  	_ =	shalt  }
.Lfunc_end0:
.L_simem_size_0:
called_computation_lowered:
.L_overlay_start_0:
0x88: {  	s2 =	sld [smem:$0x3FD9]  }
0x89: {  	s3 =	sld [smem:$0x3FFE];
	_ =	sdelay $0x1  }
0x8a: {  	s1 =	srdreg.scid  }
0x8b: {  	s0 =	sand.u32 $0x1, s1  }
0x8c: {  	s16 =	sshll.u32 s0, $0xA;
	s2 =	sadd.s32 s3, s2  }
0x8d: {  	s2 =	sadd.s32 s2, s16  }
0x8e: {  	[smem:$0x3FC3] =	sst s2  }
0x8f: {  	_ = 	snop  }
0x90: {  	(tm) =	ssettm $0x1  }
0x91: {  	s17 =	sld [smem:$0x3FFB];
	_ =	sdelay $0x3  }
0x92: {  	_ =	strace s17  }
0x93: {  	s2 =	sld [smem:$0x3FFC];
	_ =	sdelay $0x3  }
0x94: {  	_ =	strace s2  }
0x95: {  	s2 =	sld [smem:$0x3FFD];
	_ =	sdelay $0x3  }
0x96: {  	_ =	strace s2  }
0x97: {  	_ =	strace $0x8FFFFFFF  }
0x98: {  	s18 =	sld [smem:$0x3FDB];
	_ =	sdelay $0x1  }
0x99: {  	s19 =	simm.s32 $_scs_section_size  }
0x9a: {  	s4 =	simm.s32 $_size__tile_overlayer_lowered;
	s5 =	simm.s32 $_tile_overlayer_lowered  }
0x9b: {  	s22 =	simm.s32 $0x1BFF;
	s21 =	sshll.u32 s5, $0x1;
	s2 =	sadd.s32 s19, s18  }
0x9c: {  	s6 =	simm.s32 $0x0;
	s20 =	sshll.u32 s4, $0x1;
	s4 =	sadd.s32 s21, s2  }
0x9d: {  	[timem:s6], [sflag:s22] =	dma.local [hbm:s4], s20  }
0x9e: {  	_ =	swait.ge [sflag:s22], s20  }
0x9f: {  	s3 =	ssub.s32 $0x0, s20;
	[sflag:s22] =	ssyncset.done $0x0  }
0xa0: {  	[sflag:s22] =	ssyncadd.s32 s3;
	_ =	sdelay $0x1  }
0xa1: {  	s23 =	simm.s32 $0x1B8B  }
0xa2: {  	_ =	swait.ge [sflag:s23], $0x1  }
0xa3: {  	[sflag:s23] =	ssyncset.done $0x0  }
0xa4: {  	s25 =	simm.s32 $0x1B8E;
	s24 =	sld [smem:$0x3FFE];
	[sflag:s23] =	ssyncadd.s32 $0xFFFFFFFF  }
0xa5: {  	s26 =	simm.s32 $execute0_lowered;
	[smem:$0x3FD2] =	sst s25  }
0xa6: {  	s4 =	sshll.u32 s26, $0x1;
	_ =	strace $0x80000046;
	[dreg:$0x1] =	wrdreg $0xFFFFFFFF  }
0xa7: {  	s28 =	simm.s32 $_size_execute0_lowered;
	s2 =	sadd.s32 s2, s4;
	[dreg:$0x0] =	wrdreg $0x0  }
0xa8: {  	s4 =	sshll.u32 s28, $0x1;
	[dreg:$0x2] =	wrdreg s2  }
0xa9: {  	[dreg:$0x3] =	wrdreg s4  }
0xaa: {  	[dreg:$0x4] =	wrdreg $0xC0  }
0xab: {  	_ =	task [dreg:s6], $0x5FFFF  }
0xac: {  	[dreg:$0x1] =	wrdreg $0xFFFFFFFF  }
0xad: {  	[dreg:$0x0] =	wrdreg $0x60  }
0xae: {  	[dreg:$0x2] =	wrdreg s24  }
0xaf: {  	[dreg:$0x3] =	wrdreg $0x9  }
0xb0: {  	_ =	task.clear_ibuf [dreg:s6], $0x4FFFF;
	_ =	strace $0x90000046  }
0xb1: {  	s29 =	simm.s32 $0x9;
	_ =	strace $0x80000048  }
0xb2: {  	_ =	swait.ge [sflag:s29], $0x1  }
0xb3: {  	[sflag:s29] =	ssyncadd.s32 $0xFFFFFFFF  }
0xb4: {  	_ =	strace $0x90000048  }
0xb5: {  	_ =	sfence  }
0xb6: {  	s30 =	sld [smem:$0x0];
	_ =	sdelay $0x2  }
0xb7: {  	s31 =	sshll.u32 s1, $0xD;
	s1 =	sshrl.u32 s1, $0x2  }
0xb8: {  	s3 =	sand.u32 $0x4000, s31;
	s1 =	sadd.s32 s1, s30  }
0xb9: {  	s0 =	sor.u32 s3, s0;
	s1 =	sshll.u32 s1, $0x11  }
0xba: {  	s0 =	sor.u32 s1, s0  }
0xbb: {  	s0 =	sadd.s32 $0x8F2B, s0  }
0xbc: {  	[sflag:s0] =	ssyncadd.remote.s32 $0x1  }
0xbd: {  	_ =	sfence.sel $0xFFFF  }
0xbe: {  	[dreg:$0x0] =	wrdreg $0xFFFFFFFF;
	(pc) =	sbr.abs _section_cstart, $3  }
0xbf: {  	[dreg:$0x1] =	wrdreg $0xFFFFFFFF  }
0xc0: {  	_ =	task.clear_ibuf [dreg:s6], $0x2FFFF;
	_ =	strace $0x9FFFFFFF  }
0xc1: {  	(tm) =	ssettm $0x7FFFFFFF  }
tec
execute0_lowered:
.L_overlay_start_1:
0x0: {  	(tag) =	ssettag $0x1  }
0x1: {  	s1 =	srdreg.scid;
	s0 =	stileid.u32  }
0x2: {  	s3 =	rddreg [dreg:$0x0];
	s1 =	sand.u32 $0x1, s1;
	s4 =	sshll.u32 s0, $0x1  }
0x3: {  	s9 =	simm.s32 $0x1;
	s11 =	simm.s32 $0x40000000;
	s4 =	sor.u32 s1, s4  }
0x4: {  	s0 =	simm.s32 $0x0;
	s5 =	smul.u32 $0x6000, s4;
	s4 =	sshll.u32 s4, $0x4  }
0x5: {  	[smem:$0x7FF] =	sst s0;
	s1 =	ssub.s32 $0x2, s1;
	s6 =	sadd.s32 s4, s3  }
0x6: {  	_ =	strace $0x80000047;
	s5 =	sadd.s32 s5, s3;
	s31 =	sadd.s32 $0x800, s6  }
0x7: {  	s29 =	sshrl.u32 s1, $0x1;
	s2 =	sadd.s32 $0x300800, s5;
	[dreg:$0x4] =	wrdreg s31  }
0x8: {  	s1 =	ssub.s32 s1, s29;
	s30 =	sadd.s32 $0x300810, s5;
	[dreg:$0x2] =	wrdreg s2  }
0x9: {  	v0 =	vimm.s32 $0x0;
	vm0 =	vmmov $0x1;
	v1 =	vlaneseq.u32;
	s13 =	simm.s32 $0x0;
	s6 =	smax.u32 s1, $0x1;
	[dreg:$0x3] =	wrdreg s30  }
.LBB2_1:
0xa: {  	s1 =	rddreg [dreg:$0x2];
	s2 =	simm.s32 $0x80;
	s3 =	simm.s32 $0x400  }
0xb: {  	[tilespmem:s0], [sflag:$0x1] =	stream.strided.gather [hbm4b:s1+s2], $0x6000, s3, s2, $0x38;
	[tilespmem:$0x12080] =	vst v63  }
0xc: {  	_ =	swait.ge [sflag:s9], $0x6000  }
0xd: {  	[sflag:s9] =	ssyncset.done $0x0  }
0xe: {  	s31 =	simm.s32 $0x6000;
	s30 =	rddreg [dreg:$0x3];
	[sflag:s9] =	ssyncadd.s32 $0xFFFFA000  }
0xf: {  	[tilespmem:s31], [sflag:$0x1] =	stream.strided.gather [hbm4b:s30+s2], $0x6000, s3, s2, $0x38;
	[tilespmem:$0x12080] =	vst v63  }
0x10: {  	_ =	swait.ge [sflag:s9], $0x6000  }
0x11: {  	[sflag:s9] =	ssyncset.done $0x0  }
0x12: {  	s14 =	simm.s32 $0x0;
	[sflag:s9] =	ssyncadd.s32 $0xFFFFA000  }
0x13: {  	v2 =	vld [tilespmem:s14+$0x0]  }
0x14: {  	v3 =	vld [tilespmem:s14+$0x6000]  }
0x15: {  	v4 =	vld [tilespmem:s14+$0x10]  }
0x16: {  	v5 =	vld [tilespmem:s14+$0x6010]  }
0x17: {  	v6 =	vld [tilespmem:s14+$0x20]  }
0x18: {  	v8 =	vld [tilespmem:s14+$0x6020]  }
0x19: {  	v11 =	vimm.f32 $0.0e+00;
	v9 =	vld [tilespmem:s14+$0x30];
	v13 =	vmul.f32 v3, v2  }
0x1a: {  	v12 =	vld [tilespmem:s14+$0x6030];
	v10 =	vsub.f32 $1.000000000e+00, v3;
	v3 =	vadd.f32 v3, v11  }
0x1b: {  	v7 =	vld [tilespmem:s14+$0x40];
	v14 =	vsub.f32 $1.000000000e+00, v5;
	v16 =	vmul.f32 v5, v4;
	v13 =	vadd.f32 v13, v11  }
0x1c: {  	v15 =	vld [tilespmem:s14+$0x6040];
	v2 =	vmul.f32 v10, v2;
	v3 =	vadd.f32 v5, v3  }
0x1d: {  	v10 =	vld [tilespmem:s14+$0x50];
	v4 =	vmul.f32 v14, v4;
	v5 =	vadd.f32 v16, v13;
	v13 =	vmul.f32 v8, v6  }
0x1e: {  	v11 =	vld [tilespmem:s14+$0x6050];
	v14 =	vsub.f32 $1.000000000e+00, v8;
	[tilespmem:s14+$0xC000] =	vst v2  }
0x1f: {  	v2 =	vld [tilespmem:s14+$0x60];
	v8 =	vadd.f32 v8, v3;
	[tilespmem:s14+$0xC010] =	vst v4;
	v4 =	vadd.f32 v13, v5;
	v13 =	vmul.f32 v12, v9  }
0x20: {  	v6 =	vmul.f32 v14, v6;
	v14 =	vsub.f32 $1.000000000e+00, v12;
	v5 =	vld [tilespmem:s14+$0x6060]  }
0x21: {  	v17 =	vmul.f32 v15, v7;
	v3 =	vld [tilespmem:s14+$0x70];
	v8 =	vadd.f32 v12, v8;
	v63 =	vadd.f32 v13, v4  }
0x22: {  	s15 =	simm.s32 $0x80;
	[tilespmem:s14+$0xC020] =	vst v6;
	v6 =	vld [tilespmem:s14+$0x6070];
	v13 =	vmul.f32 v14, v9;
	v14 =	vsub.f32 $1.000000000e+00, v15  }
0x23: {  	s16 =	simm.s32 $0x400;
	v4 =	vld [tilespmem:s15+$0x0];
	v12 =	vadd.f32 v15, v8;
	v9 =	vmul.f32 v11, v10;
	v8 =	vadd.f32 v17, v63  }
.LBB2_2:
0x24: {  	p0 =	sne.s32 s16, $0x17E00;
	v15 =	vld [tilespmem:s15+$0x6000];
	[tilespmem:s14+$0xC030] =	vst v13;
	v7 =	vmul.f32 v14, v7;
	v13 =	vsub.f32 $1.000000000e+00, v11  }
0x25: {  	v14 =	vld [tilespmem:s15+$0x10];
	v11 =	vadd.f32 v11, v12;
	v8 =	vadd.f32 v9, v8;
	v9 =	vmul.f32 v5, v2  }
0x26: {  	v12 =	vld [tilespmem:s15+$0x6010];
	[tilespmem:s14+$0xC040] =	vst v7;
	v7 =	vmul.f32 v13, v10;
	v10 =	vsub.f32 $1.000000000e+00, v5  }
0x27: {  	v13 =	vld [tilespmem:s15+$0x20];
	v5 =	vadd.f32 v5, v11;
	v8 =	vadd.f32 v9, v8;
	v9 =	vmul.f32 v6, v3  }
0x28: {  	v16 =	vld [tilespmem:s15+$0x6020];
	[tilespmem:s14+$0xC050] =	vst v7;
	v2 =	vmul.f32 v10, v2;
	v7 =	vsub.f32 $1.000000000e+00, v6  }
0x29: {  	v10 =	vmul.f32 v15, v4;
	v17 =	vld [tilespmem:s15+$0x30];
	v5 =	vadd.f32 v6, v5;
	v6 =	vadd.f32 v9, v8  }
0x2a: {  	v8 =	vsub.f32 $1.000000000e+00, v15;
	v9 =	vld [tilespmem:s15+$0x6030];
	[tilespmem:s14+$0xC060] =	vst v2;
	v2 =	vmul.f32 v7, v3  }
0x2b: {  	v3 =	vadd.f32 v15, v5;
	v5 =	vadd.f32 v10, v6;
	v6 =	vmul.f32 v12, v14;
	v7 =	vld [tilespmem:s15+$0x40]  }
0x2c: {  	v4 =	vmul.f32 v8, v4;
	v8 =	vsub.f32 $1.000000000e+00, v12;
	v15 =	vld [tilespmem:s15+$0x6040];
	[tilespmem:s14+$0xC070] =	vst v2;
	s14 =	smov.u32 s15  }
0x2d: {  	v2 =	vadd.f32 v12, v3;
	v3 =	vadd.f32 v6, v5;
	v5 =	vmul.f32 v16, v13;
	v10 =	vld [tilespmem:s14+$0x50]  }
0x2e: {  	v6 =	vsub.f32 $1.000000000e+00, v16;
	[tilespmem:s14+$0xC000] =	vst v4;
	v4 =	vmul.f32 v8, v14;
	v11 =	vld [tilespmem:s14+$0x6050]  }
.Ltmp0:
0x2f: {  	v8 =	vadd.f32 v16, v2;
	v3 =	vadd.f32 v5, v3;
	v12 =	vmul.f32 v9, v17;
	v2 =	vld [tilespmem:s14+$0x60];
	(pc) =	sbr.rel @p0 .LBB2_2-.Ltmp0, $4  }
0x30: {  	[tilespmem:s14+$0xC010] =	vst v4;
	v4 =	vmul.f32 v6, v13;
	v6 =	vsub.f32 $1.000000000e+00, v9;
	v5 =	vld [tilespmem:s14+$0x6060]  }
0x31: {  	v8 =	vadd.f32 v9, v8;
	v9 =	vadd.f32 v12, v3;
	v16 =	vmul.f32 v15, v7;
	v3 =	vld [tilespmem:s14+$0x70]  }
0x32: {  	s15 =	sshra.s32 s16, $0x2;
	v14 =	vsub.f32 $1.000000000e+00, v15;
	[tilespmem:s14+$0xC020] =	vst v4;
	v13 =	vmul.f32 v6, v17;
	v6 =	vld [tilespmem:s14+$0x6070]  }
0x33: {  	s16 =	sadd.s32 $0x200, s16;
	v4 =	vld [tilespmem:s15+$0x0];
	v12 =	vadd.f32 v15, v8;
	v8 =	vadd.f32 v16, v9;
	v9 =	vmul.f32 v11, v10  }
0x34: {  	_ = 	snop  }
0x35: {  	v44 =	vadd.f32 v11, v12  }
0x36: {  	v15 =	vld [tilespmem:s15+$0x6000]  }
0x37: {  	[tilespmem:s14+$0xC030] =	vst v13;
	v7 =	vmul.f32 v14, v7;
	v40 =	vsub.f32 $1.000000000e+00, v11;
	v11 =	vadd.f32 v5, v44  }
0x38: {  	v16 =	vld [tilespmem:s15+$0x6010]  }
0x39: {  	v13 =	vld [tilespmem:s15+$0x10];
	v43 =	vsub.f32 $1.000000000e+00, v5;
	[tilespmem:s14+$0xC040] =	vst v7;
	v41 =	vmul.f32 v40, v10;
	v48 =	vadd.f32 v6, v11  }
0x3a: {  	v17 =	vld [tilespmem:s15+$0x6020]  }
0x3b: {  	v42 =	vld [tilespmem:s15+$0x20];
	v45 =	vmul.f32 v43, v2;
	v47 =	vsub.f32 $1.000000000e+00, v6;
	[tilespmem:s14+$0xC050] =	vst v41;
	v7 =	vadd.f32 v15, v48  }
0x3c: {  	v18 =	vld [tilespmem:s15+$0x6030]  }
0x3d: {  	v46 =	vld [tilespmem:s15+$0x30];
	[tilespmem:s14+$0xC060] =	vst v45;
	v14 =	vmul.f32 v47, v3;
	v7 =	vadd.f32 v16, v7  }
0x3e: {  	v20 =	vld [tilespmem:s15+$0x6040]  }
0x3f: {  	v19 =	vld [tilespmem:s15+$0x40];
	[tilespmem:s14+$0xC070] =	vst v14;
	v7 =	vadd.f32 v17, v7  }
0x40: {  	v52 =	vld [tilespmem:s15+$0x6050]  }
0x41: {  	v7 =	vadd.f32 v18, v7  }
0x42: {  	v54 =	vld [tilespmem:s15+$0x6060]  }
0x43: {  	v7 =	vadd.f32 v20, v7  }
0x44: {  	v55 =	vld [tilespmem:s15+$0x6070]  }
0x45: {  	v7 =	vadd.f32 v52, v7;
	_ =	sdelay $0x1  }
0x46: {  	v7 =	vadd.f32 v54, v7;
	_ =	sdelay $0x1  }
0x47: {  	v7 =	vadd.f32 v55, v7;
	_ =	sdelay $0x1  }
0x48: {  	(v2sf) =	vpush v7, $0x0  }
0x49: {  	(v2sf) =	vpush v7, $0x1;
	_ =	sdelay $0x1  }
0x4a: {  	(v2sf) =	vpush v7, $0x2;
	_ =	sdelay $0x1  }
0x4b: {  	(v2sf) =	vpush v7, $0x3;
	_ =	sdelay $0x1  }
0x4c: {  	(v2sf) =	vpush v7, $0x4;
	_ =	sdelay $0x1  }
0x4d: {  	(v2sf) =	vpush v7, $0x5;
	_ =	sdelay $0x1  }
0x4e: {  	(v2sf) =	vpush v7, $0x6;
	_ =	sdelay $0x1  }
0x4f: {  	(v2sf) =	vpush v7, $0x7;
	_ =	sdelay $0x1  }
0x50: {  	s1 =	spop (v2sf);
	(v2sf) =	vpush v7, $0x8  }
0x51: {  	s16 =	spop (v2sf)  }
0x52: {  	(v2sf) =	vpush v7, $0x9;
	s1 =	sadd.f32 s16, s1  }
0x53: {  	s17 =	spop (v2sf)  }
0x54: {  	(v2sf) =	vpush v7, $0xA;
	s1 =	sadd.f32 s1, s17  }
0x55: {  	s18 =	spop (v2sf)  }
0x56: {  	(v2sf) =	vpush v7, $0xB;
	s1 =	sadd.f32 s1, s18  }
0x57: {  	s19 =	spop (v2sf)  }
0x58: {  	(v2sf) =	vpush v7, $0xC;
	s1 =	sadd.f32 s1, s19  }
0x59: {  	s20 =	spop (v2sf)  }
0x5a: {  	(v2sf) =	vpush v7, $0xD;
	s1 =	sadd.f32 s1, s20  }
0x5b: {  	s21 =	spop (v2sf)  }
0x5c: {  	(v2sf) =	vpush v7, $0xE;
	s1 =	sadd.f32 s1, s21  }
0x5d: {  	s22 =	spop (v2sf)  }
0x5e: {  	v8 =	vadd.f32 v9, v8;
	v2 =	vmul.f32 v5, v2;
	(v2sf) =	vpush v7, $0xF;
	s1 =	sadd.f32 s1, s22  }
0x5f: {  	s23 =	spop (v2sf)  }
0x60: {  	v2 =	vadd.f32 v2, v8;
	v3 =	vmul.f32 v6, v3;
	s1 =	sadd.f32 s1, s23  }
0x61: {  	s24 =	spop (v2sf)  }
0x62: {  	v56 =	vmul.f32 v15, v4;
	v2 =	vadd.f32 v3, v2;
	s1 =	sadd.f32 s1, s24  }
0x63: {  	s25 =	spop (v2sf)  }
0x64: {  	v3 =	vmul.f32 v16, v13;
	v2 =	vadd.f32 v56, v2;
	s1 =	sadd.f32 s1, s25  }
0x65: {  	s26 =	spop (v2sf)  }
0x66: {  	v2 =	vadd.f32 v3, v2;
	v3 =	vmul.f32 v17, v42;
	s1 =	sadd.f32 s1, s26  }
0x67: {  	v49 =	vsub.f32 $1.000000000e+00, v15;
	v21 =	vld [tilespmem:s15+$0x50];
	s28 =	spop (v2sf)  }
0x68: {  	v50 =	vsub.f32 $1.000000000e+00, v16;
	v23 =	vld [tilespmem:s15+$0x60];
	v2 =	vadd.f32 v3, v2;
	v3 =	vmul.f32 v18, v46;
	s1 =	sadd.f32 s1, s28  }
0x69: {  	v11 =	vmul.f32 v49, v4;
	v22 =	vsub.f32 $1.000000000e+00, v17;
	v57 =	vsub.f32 $1.000000000e+00, v18;
	s29 =	spop (v2sf)  }
0x6a: {  	v51 =	vmul.f32 v50, v13;
	v24 =	vld [tilespmem:s15+$0x70];
	v2 =	vadd.f32 v3, v2;
	v3 =	vmul.f32 v20, v19;
	s1 =	sadd.f32 s1, s29  }
0x6b: {  	[tilespmem:s15+$0xC000] =	vst v11;
	v53 =	vmul.f32 v22, v42;
	v58 =	vsub.f32 $1.000000000e+00, v20;
	v4 =	vmul.f32 v57, v46;
	s30 =	spop (v2sf)  }
0x6c: {  	[tilespmem:s15+$0xC010] =	vst v51;
	v59 =	vsub.f32 $1.000000000e+00, v52;
	v2 =	vadd.f32 v3, v2;
	v3 =	vmul.f32 v52, v21;
	s1 =	sadd.f32 s1, s30  }
0x6d: {  	[tilespmem:s15+$0xC020] =	vst v53;
	v5 =	vmul.f32 v58, v19;
	v60 =	vmul.f32 v54, v23;
	v61 =	vsub.f32 $1.000000000e+00, v55;
	s31 =	spop (v2sf)  }
0x6e: {  	[tilespmem:s15+$0xC030] =	vst v4;
	v6 =	vmul.f32 v59, v21;
	v2 =	vadd.f32 v3, v2;
	v3 =	vsub.f32 $1.000000000e+00, v54;
	s14 =	sadd.f32 s1, s31  }
0x6f: {  	[tilespmem:s15+$0xC040] =	vst v5;
	v63 =	vmul.f32 v61, v24  }
0x70: {  	v62 =	vmul.f32 v55, v24;
	[tilespmem:s15+$0xC050] =	vst v6;
	v3 =	vmul.f32 v3, v23;
	v2 =	vadd.f32 v60, v2;
	s1 =	scvt.f32.s32 s14  }
0x71: {  	[tilespmem:s15+$0xC070] =	vst v63  }
0x72: {  	[tilespmem:s15+$0xC060] =	vst v3;
	v2 =	vadd.f32 v62, v2;
	s16 =	simm.s32 $0x0;
	s17 =	simm.s32 $0x0;
	s15 =	smul.u32 $0x3, s1  }
.LBB2_4:
0x73: {  	s20 =	simm.s32 $0x0  }
0x74: {  	v4 =	vld [tilespmem:s20+$0xC000]  }
0x75: {  	v6 =	vld [tilespmem:s20+$0xC010]  }
0x76: {  	s1 =	sshrl.u32 s11, s16;
	v8 =	vld [tilespmem:s20+$0xC020]  }
0x77: {  	s18 =	sor.u32 s1, s17;
	v7 =	vld [tilespmem:s20+$0xC030]  }
0x78: {  	v5 =	vld [tilespmem:s20+$0xC040];
	v3 =	vmov s18  }
0x79: {  	vm1 =	vge.s32 v4, v3;
	v4 =	vld [tilespmem:s20+$0xC050]  }
0x7a: {  	v9 =	vimm.s32 $0x0;
	v10 =	vsel vm1, $0x1, v0;
	vm1 =	vge.s32 v6, v3;
	v6 =	vld [tilespmem:s20+$0xC060]  }
0x7b: {  	s19 =	simm.s32 $0x80;
	s1 =	simm.s32 $0x400;
	v9 =	vadd.s32 v10, v9;
	v10 =	vsel vm1, $0x1, v0;
	vm1 =	vge.s32 v8, v3;
	v8 =	vld [tilespmem:s20+$0xC070]  }
.LBB2_5:
0x7c: {  	p0 =	sne.s32 s1, $0x17E00;
	v11 =	vld [tilespmem:s19+$0xC000];
	v9 =	vadd.s32 v10, v9;
	v10 =	vsel vm1, $0x1, v0;
	vm1 =	vge.s32 v7, v3  }
0x7d: {  	v12 =	vld [tilespmem:s19+$0xC010];
	v7 =	vadd.s32 v10, v9;
	v9 =	vsel vm1, $0x1, v0;
	vm1 =	vge.s32 v5, v3  }
0x7e: {  	v13 =	vld [tilespmem:s19+$0xC020];
	v5 =	vadd.s32 v9, v7;
	v9 =	vsel vm1, $0x1, v0;
	vm1 =	vge.s32 v4, v3  }
.Ltmp1:
0x7f: {  	v7 =	vld [tilespmem:s19+$0xC030];
	v4 =	vadd.s32 v9, v5;
	v9 =	vsel vm1, $0x1, v0;
	vm1 =	vge.s32 v6, v3;
	(pc) =	sbr.rel @p0 .LBB2_5-.Ltmp1, $4  }
0x80: {  	v5 =	vld [tilespmem:s19+$0xC040];
	v6 =	vadd.s32 v9, v4;
	v9 =	vsel vm1, $0x1, v0;
	vm1 =	vge.s32 v8, v3  }
0x81: {  	vm2 =	vge.s32 v11, v3;
	v4 =	vld [tilespmem:s19+$0xC050];
	v8 =	vadd.s32 v9, v6;
	v9 =	vsel vm1, $0x1, v0  }
0x82: {  	v10 =	vsel vm2, $0x1, v0;
	vm1 =	vge.s32 v12, v3;
	v6 =	vld [tilespmem:s19+$0xC060];
	v8 =	vadd.s32 v9, v8  }
0x83: {  	v9 =	vadd.s32 v10, v8;
	v10 =	vsel vm1, $0x1, v0;
	vm1 =	vge.s32 v13, v3;
	v8 =	vld [tilespmem:s19+$0xC070];
	s19 =	sshra.s32 s1, $0x2;
	s1 =	sadd.s32 $0x200, s1  }
0x84: {  	v11 =	vld [tilespmem:s19+$0xC000];
	v9 =	vadd.s32 v10, v9;
	v44 =	vsel vm1, $0x1, v0;
	vm1 =	vge.s32 v7, v3  }
0x85: {  	v45 =	vld [tilespmem:s19+$0xC010];
	v9 =	vadd.s32 v44, v9;
	v46 =	vsel vm1, $0x1, v0;
	vm1 =	vge.s32 v5, v3  }
0x86: {  	v47 =	vld [tilespmem:s19+$0xC020];
	v9 =	vadd.s32 v46, v9;
	v48 =	vsel vm1, $0x1, v0;
	vm1 =	vge.s32 v4, v3  }
0x87: {  	v49 =	vld [tilespmem:s19+$0xC030];
	v9 =	vadd.s32 v48, v9;
	v50 =	vsel vm1, $0x1, v0;
	vm1 =	vge.s32 v6, v3  }
0x88: {  	v51 =	vld [tilespmem:s19+$0xC040];
	v9 =	vadd.s32 v50, v9;
	v52 =	vsel vm1, $0x1, v0;
	vm1 =	vge.s32 v8, v3  }
0x89: {  	v53 =	vld [tilespmem:s19+$0xC050];
	vm2 =	vge.s32 v11, v3;
	v9 =	vadd.s32 v52, v9;
	v54 =	vsel vm1, $0x1, v0  }
0x8a: {  	v55 =	vld [tilespmem:s19+$0xC060];
	vm1 =	vge.s32 v45, v3;
	v11 =	vsel vm2, $0x1, v0;
	v9 =	vadd.s32 v54, v9  }
0x8b: {  	v57 =	vld [tilespmem:s19+$0xC070];
	v56 =	vsel vm1, $0x1, v0;
	vm1 =	vge.s32 v47, v3;
	v9 =	vadd.s32 v11, v9  }
0x8c: {  	v58 =	vsel vm1, $0x1, v0;
	vm1 =	vge.s32 v49, v3;
	v9 =	vadd.s32 v56, v9  }
0x8d: {  	v60 =	vsel vm1, $0x1, v0;
	vm1 =	vge.s32 v51, v3;
	v59 =	vadd.s32 v58, v9  }
0x8e: {  	v6 =	vsel vm1, $0x1, v0;
	vm1 =	vge.s32 v53, v3;
	v4 =	vadd.s32 v60, v59  }
0x8f: {  	v61 =	vsel vm1, $0x1, v0;
	vm1 =	vge.s32 v55, v3;
	v4 =	vadd.s32 v6, v4  }
0x90: {  	v62 =	vsel vm1, $0x1, v0;
	vm1 =	vge.s32 v57, v3;
	v4 =	vadd.s32 v61, v4  }
0x91: {  	v63 =	vsel vm1, $0x1, v0;
	v3 =	vadd.s32 v62, v4  }
0x92: {  	v3 =	vadd.s32 v63, v3  }
0x93: {  	(v2sf) =	vpush v3, $0x0  }
0x94: {  	(v2sf) =	vpush v3, $0x1  }
0x95: {  	(v2sf) =	vpush v3, $0x2  }
0x96: {  	(v2sf) =	vpush v3, $0x3  }
0x97: {  	(v2sf) =	vpush v3, $0x4  }
0x98: {  	(v2sf) =	vpush v3, $0x5  }
0x99: {  	(v2sf) =	vpush v3, $0x6  }
0x9a: {  	(v2sf) =	vpush v3, $0x7  }
0x9b: {  	(v2sf) =	vpush v3, $0x8  }
0x9c: {  	(v2sf) =	vpush v3, $0x9  }
0x9d: {  	(v2sf) =	vpush v3, $0xA  }
0x9e: {  	(v2sf) =	vpush v3, $0xB  }
0x9f: {  	(v2sf) =	vpush v3, $0xC  }
0xa0: {  	(v2sf) =	vpush v3, $0xD  }
0xa1: {  	(v2sf) =	vpush v3, $0xE  }
0xa2: {  	s1 =	spop (v2sf);
	(v2sf) =	vpush v3, $0xF  }
0xa3: {  	s7 =	spop (v2sf)  }
0xa4: {  	s1 =	sadd.s32 s7, s1;
	s8 =	spop (v2sf)  }
0xa5: {  	s1 =	sadd.s32 s8, s1;
	s10 =	spop (v2sf)  }
0xa6: {  	s1 =	sadd.s32 s10, s1;
	s12 =	spop (v2sf)  }
0xa7: {  	s1 =	sadd.s32 s12, s1;
	s20 =	spop (v2sf)  }
0xa8: {  	s1 =	sadd.s32 s20, s1;
	s21 =	spop (v2sf)  }
0xa9: {  	s1 =	sadd.s32 s21, s1;
	s22 =	spop (v2sf)  }
0xaa: {  	s1 =	sadd.s32 s22, s1;
	s23 =	spop (v2sf)  }
0xab: {  	s1 =	sadd.s32 s23, s1;
	s24 =	spop (v2sf)  }
0xac: {  	s1 =	sadd.s32 s24, s1;
	s25 =	spop (v2sf)  }
0xad: {  	s1 =	sadd.s32 s25, s1;
	s26 =	spop (v2sf)  }
0xae: {  	s1 =	sadd.s32 s26, s1;
	s28 =	spop (v2sf)  }
0xaf: {  	s1 =	sadd.s32 s28, s1;
	s29 =	spop (v2sf)  }
0xb0: {  	s1 =	sadd.s32 s29, s1;
	s30 =	spop (v2sf)  }
0xb1: {  	s1 =	sadd.s32 s30, s1;
	s31 =	spop (v2sf)  }
0xb2: {  	s1 =	sadd.s32 s31, s1  }
0xb3: {  	s16 =	sadd.s32 $0x1, s16;
	p0 =	slt.s32 s1, s15  }
0xb4: {  	s18 =	smov.u32 @p0 s17;
	p0 =	seq.s32 s16, $0x16  }
.Ltmp2:
0xb5: {  	_ = 	snop;
	(pc) =	sbr.rel @!p0 .LBB2_4-.Ltmp2, $2  }
0xb6: {  	_ =	sdelay $0x2  }
0xb7: {  	s17 =	smov.u32 s18  }
0xb8: {  	s1 =	simm.s32 $0x0  }
0xb9: {  	v8 =	vld [tilespmem:s1+$0xC000];
	_ =	sdelay $0x1  }
0xba: {  	v9 =	vld [tilespmem:s1+$0xC010];
	_ =	sdelay $0x1  }
0xbb: {  	v3 =	vmov s18;
	v10 =	vld [tilespmem:s1+$0xC020]  }
0xbc: {  	v4 =	vld [tilespmem:s1+$0xC070];
	vm5 =	vgt.s32 v8, v3  }
0xbd: {  	v7 =	vimm.f32 $0.0e+00;
	v11 =	vld [tilespmem:s1+$0xC030];
	v8 =	vnsel vm5, $0x0, v8  }
0xbe: {  	v5 =	vld [tilespmem:s1+$0xC060];
	vm6 =	vgt.s32 v9, v3;
	v7 =	vadd.f32 v8, v7  }
0xbf: {  	v12 =	vld [tilespmem:s1+$0xC040];
	v9 =	vnsel vm6, $0x0, v9  }
0xc0: {  	vm7 =	vgt.s32 v10, v3;
	v8 =	vld [tilespmem:s1+$0xC050];
	v7 =	vadd.f32 v9, v7  }
0xc1: {  	v6 =	vimm.s32 $0x0;
	v9 =	vnsel vm7, $0x0, v10  }
0xc2: {  	vm4 =	vgt.s32 v11, v3;
	vm1 =	vgt.s32 v4, v3;
	v7 =	vadd.f32 v9, v7  }
0xc3: {  	vm2 =	vgt.s32 v5, v3;
	v10 =	vsel vm5, $0x1, v0;
	v9 =	vnsel vm4, $0x0, v11  }
0xc4: {  	vm5 =	vgt.s32 v12, v3;
	v6 =	vadd.s32 v10, v6;
	v9 =	vadd.f32 v9, v7  }
0xc5: {  	v10 =	vnsel vm5, $0x0, v12;
	vm3 =	vgt.s32 v8, v3;
	v7 =	vsel vm6, $0x1, v0  }
0xc6: {  	s16 =	simm.s32 $0x80;
	s1 =	simm.s32 $0x400;
	v6 =	vadd.s32 v7, v6;
	v7 =	vsel vm7, $0x1, v0;
	v9 =	vadd.f32 v10, v9  }
.LBB2_8:
0xc7: {  	p0 =	sne.s32 s1, $0x17E00;
	v10 =	vld [tilespmem:s16+$0xC000];
	v6 =	vadd.s32 v7, v6;
	v7 =	vsel vm4, $0x1, v0;
	v8 =	vnsel vm3, $0x0, v8  }
0xc8: {  	v6 =	vadd.s32 v7, v6;
	v7 =	vsel vm5, $0x1, v0;
	v8 =	vadd.f32 v8, v9  }
0xc9: {  	v5 =	vnsel vm2, $0x0, v5;
	v9 =	vld [tilespmem:s16+$0xC010];
	v6 =	vadd.s32 v7, v6;
	v7 =	vsel vm3, $0x1, v0  }
0xca: {  	v11 =	vld [tilespmem:s16+$0xC070];
	v6 =	vadd.s32 v7, v6;
	v7 =	vadd.f32 v5, v8;
	v5 =	vsel vm2, $0x1, v0  }
0xcb: {  	v4 =	vnsel vm1, $0x0, v4;
	v8 =	vsel vm1, $0x1, v0;
	v12 =	vld [tilespmem:s16+$0xC020];
	v6 =	vadd.s32 v5, v6  }
0xcc: {  	vm5 =	vgt.s32 v10, v3;
	v5 =	vld [tilespmem:s16+$0xC060];
	v14 =	vadd.f32 v4, v7;
	v6 =	vadd.s32 v8, v6  }
0xcd: {  	v7 =	vnsel vm5, $0x0, v10;
	v10 =	vld [tilespmem:s16+$0xC030]  }
0xce: {  	v7 =	vadd.f32 v7, v14;
	vm6 =	vgt.s32 v9, v3;
	v8 =	vld [tilespmem:s16+$0xC050]  }
0xcf: {  	v9 =	vnsel vm6, $0x0, v9;
	v13 =	vld [tilespmem:s16+$0xC040];
	v4 =	vmov v11  }
0xd0: {  	v7 =	vadd.f32 v9, v7;
	vm7 =	vgt.s32 v12, v3  }
0xd1: {  	v9 =	vnsel vm7, $0x0, v12  }
.Ltmp3:
0xd2: {  	vm1 =	vgt.s32 v4, v3;
	v7 =	vadd.f32 v9, v7;
	vm4 =	vgt.s32 v10, v3;
	(pc) =	sbr.rel @p0 .LBB2_8-.Ltmp3, $4  }
0xd3: {  	vm2 =	vgt.s32 v5, v3;
	v9 =	vnsel vm4, $0x0, v10;
	vm3 =	vgt.s32 v8, v3  }
0xd4: {  	v10 =	vsel vm5, $0x1, v0;
	v9 =	vadd.f32 v9, v7;
	vm5 =	vgt.s32 v13, v3  }
0xd5: {  	v6 =	vadd.s32 v10, v6;
	v7 =	vsel vm6, $0x1, v0;
	v10 =	vnsel vm5, $0x0, v13  }
0xd6: {  	s16 =	sshra.s32 s1, $0x2;
	s1 =	sadd.s32 $0x200, s1;
	v6 =	vadd.s32 v7, v6;
	v7 =	vsel vm7, $0x1, v0;
	v9 =	vadd.f32 v10, v9  }
0xd7: {  	v10 =	vld [tilespmem:s16+$0xC000];
	v8 =	vnsel vm3, $0x0, v8  }
0xd8: {  	v8 =	vadd.f32 v8, v9  }
0xd9: {  	v40 =	vld [tilespmem:s16+$0xC010];
	v5 =	vnsel vm2, $0x0, v5  }
0xda: {  	v5 =	vadd.f32 v5, v8  }
0xdb: {  	v41 =	vld [tilespmem:s16+$0xC020];
	v4 =	vnsel vm1, $0x0, v4  }
0xdc: {  	vm6 =	vgt.s32 v10, v3;
	v4 =	vadd.f32 v4, v5  }
0xdd: {  	v43 =	vld [tilespmem:s16+$0xC030];
	v42 =	vnsel vm6, $0x0, v10  }
0xde: {  	(v2sf) =	vpush v2, $0x0;
	vm7 =	vgt.s32 v40, v3;
	v4 =	vadd.f32 v42, v4  }
0xdf: {  	v45 =	vld [tilespmem:s16+$0xC040];
	(v2sf) =	vpush v2, $0x1;
	v44 =	vnsel vm7, $0x0, v40  }
0xe0: {  	(v2sf) =	vpush v2, $0x2;
	vm8 =	vgt.s32 v41, v3;
	v4 =	vadd.f32 v44, v4  }
0xe1: {  	v46 =	vld [tilespmem:s16+$0xC050];
	(v2sf) =	vpush v2, $0x3;
	v8 =	vnsel vm8, $0x0, v41  }
0xe2: {  	(v2sf) =	vpush v2, $0x4;
	vm9 =	vgt.s32 v43, v3;
	v4 =	vadd.f32 v8, v4  }
0xe3: {  	v47 =	vld [tilespmem:s16+$0xC060];
	(v2sf) =	vpush v2, $0x5;
	v10 =	vnsel vm9, $0x0, v43  }
0xe4: {  	vm10 =	vgt.s32 v45, v3;
	(v2sf) =	vpush v2, $0x6;
	v4 =	vadd.f32 v10, v4  }
0xe5: {  	v48 =	vld [tilespmem:s16+$0xC070];
	v9 =	vnsel vm10, $0x0, v45;
	(v2sf) =	vpush v2, $0x7  }
0xe6: {  	vm11 =	vgt.s32 v46, v3;
	(v2sf) =	vpush v2, $0x8;
	v4 =	vadd.f32 v9, v4  }
0xe7: {  	v5 =	vnsel vm11, $0x0, v46;
	(v2sf) =	vpush v2, $0x9  }
0xe8: {  	vm12 =	vgt.s32 v47, v3;
	(v2sf) =	vpush v2, $0xA;
	v4 =	vadd.f32 v5, v4  }
0xe9: {  	v49 =	vnsel vm12, $0x0, v47;
	(v2sf) =	vpush v2, $0xB  }
0xea: {  	vm13 =	vgt.s32 v48, v3;
	(v2sf) =	vpush v2, $0xC;
	v4 =	vadd.f32 v49, v4  }
0xeb: {  	v50 =	vnsel vm13, $0x0, v48;
	(v2sf) =	vpush v2, $0xD  }
0xec: {  	(v2sf) =	vpush v2, $0xE;
	v4 =	vadd.f32 v50, v4  }
0xed: {  	(v2sf) =	vpush v2, $0xF;
	s31 =	spop (v2sf)  }
0xee: {  	s1 =	spop (v2sf);
	(v2sf) =	vpush v4, $0x0  }
0xef: {  	s30 =	spop (v2sf);
	(v2sf) =	vpush v4, $0x1  }
0xf0: {  	v51 =	vadd.s32 v7, v6;
	v2 =	vsel vm4, $0x1, v0;
	s29 =	spop (v2sf);
	(v2sf) =	vpush v4, $0x2  }
0xf1: {  	v52 =	vsel vm5, $0x1, v0;
	v2 =	vadd.s32 v2, v51;
	s28 =	spop (v2sf);
	(v2sf) =	vpush v4, $0x3  }
0xf2: {  	v53 =	vsel vm3, $0x1, v0;
	v2 =	vadd.s32 v52, v2;
	s26 =	spop (v2sf);
	(v2sf) =	vpush v4, $0x4  }
0xf3: {  	v54 =	vsel vm2, $0x1, v0;
	v2 =	vadd.s32 v53, v2;
	s25 =	spop (v2sf);
	(v2sf) =	vpush v4, $0x5  }
0xf4: {  	v55 =	vsel vm1, $0x1, v0;
	v2 =	vadd.s32 v54, v2;
	s24 =	spop (v2sf);
	(v2sf) =	vpush v4, $0x6  }
0xf5: {  	v56 =	vsel vm6, $0x1, v0;
	v2 =	vadd.s32 v55, v2;
	s23 =	spop (v2sf);
	(v2sf) =	vpush v4, $0x7  }
0xf6: {  	v57 =	vsel vm7, $0x1, v0;
	v2 =	vadd.s32 v56, v2;
	s22 =	spop (v2sf);
	(v2sf) =	vpush v4, $0x8  }
0xf7: {  	v58 =	vsel vm8, $0x1, v0;
	v2 =	vadd.s32 v57, v2;
	s20 =	spop (v2sf);
	(v2sf) =	vpush v4, $0x9  }
0xf8: {  	v59 =	vsel vm9, $0x1, v0;
	v2 =	vadd.s32 v58, v2;
	s18 =	spop (v2sf);
	(v2sf) =	vpush v4, $0xA  }
0xf9: {  	v60 =	vsel vm10, $0x1, v0;
	v2 =	vadd.s32 v59, v2;
	s16 =	spop (v2sf);
	(v2sf) =	vpush v4, $0xB  }
0xfa: {  	v61 =	vsel vm11, $0x1, v0;
	v2 =	vadd.s32 v60, v2;
	s17 =	spop (v2sf);
	(v2sf) =	vpush v4, $0xC  }
0xfb: {  	v62 =	vsel vm12, $0x1, v0;
	v2 =	vadd.s32 v61, v2;
	s19 =	spop (v2sf);
	(v2sf) =	vpush v4, $0xD  }
0xfc: {  	v63 =	vsel vm13, $0x1, v0;
	v2 =	vadd.s32 v62, v2;
	s21 =	spop (v2sf);
	(v2sf) =	vpush v4, $0xE  }
0xfd: {  	v2 =	vadd.s32 v63, v2;
	s0 =	spop (v2sf);
	(v2sf) =	vpush v4, $0xF  }
0xfe: {  	s10 =	spop (v2sf);
	(v2sf) =	vpush v2, $0x0  }
0xff: {  	s12 =	spop (v2sf);
	(v2sf) =	vpush v2, $0x1  }
0x100: {  	s2 =	spop (v2sf);
	(v2sf) =	vpush v2, $0x2  }
0x101: {  	s7 =	spop (v2sf);
	(v2sf) =	vpush v2, $0x3  }
0x102: {  	s8 =	spop (v2sf);
	(v2sf) =	vpush v2, $0x4  }
0x103: {  	s3 =	spop (v2sf);
	(v2sf) =	vpush v2, $0x5  }
0x104: {  	s4 =	spop (v2sf);
	(v2sf) =	vpush v2, $0x6  }
0x105: {  	s0 =	sadd.f32 s10, s0;
	s10 =	spop (v2sf);
	(v2sf) =	vpush v2, $0x7  }
0x106: {  	(v2sf) =	vpush v2, $0x8;
	s5 =	spop (v2sf)  }
0x107: {  	s0 =	sadd.f32 s0, s12;
	(v2sf) =	vpush v2, $0x9;
	s12 =	spop (v2sf)  }
0x108: {  	s1 =	sadd.f32 s1, s31;
	(v2sf) =	vpush v2, $0xA;
	s31 =	spop (v2sf)  }
0x109: {  	s0 =	sadd.f32 s0, s2;
	(v2sf) =	vpush v2, $0xB;
	s2 =	spop (v2sf)  }
0x10a: {  	s1 =	sadd.f32 s1, s30;
	(v2sf) =	vpush v2, $0xC;
	s30 =	spop (v2sf)  }
0x10b: {  	s0 =	sadd.f32 s0, s7;
	(v2sf) =	vpush v2, $0xD;
	s7 =	spop (v2sf)  }
0x10c: {  	s1 =	sadd.f32 s1, s29;
	(v2sf) =	vpush v2, $0xE;
	s29 =	spop (v2sf)  }
0x10d: {  	s0 =	sadd.f32 s0, s8;
	(v2sf) =	vpush v2, $0xF;
	s8 =	spop (v2sf)  }
0x10e: {  	s1 =	sadd.f32 s1, s28;
	s28 =	spop (v2sf)  }
0x10f: {  	s0 =	sadd.f32 s0, s3;
	s8 =	sadd.s32 s8, s28;
	s28 =	spop (v2sf)  }
0x110: {  	s1 =	sadd.f32 s1, s26;
	s3 =	sadd.s32 s28, s8;
	s28 =	spop (v2sf)  }
0x111: {  	s0 =	sadd.f32 s0, s4;
	s3 =	sadd.s32 s28, s3;
	s8 =	spop (v2sf)  }
0x112: {  	s1 =	sadd.f32 s1, s25;
	s3 =	sadd.s32 s8, s3;
	s25 =	spop (v2sf)  }
0x113: {  	s0 =	sadd.f32 s0, s10;
	s3 =	sadd.s32 s25, s3;
	s26 =	spop (v2sf)  }
0x114: {  	s1 =	sadd.f32 s1, s24;
	s3 =	sadd.s32 s26, s3;
	s28 =	spop (v2sf)  }
0x115: {  	s0 =	sadd.f32 s0, s5;
	s3 =	sadd.s32 s28, s3;
	s5 =	spop (v2sf)  }
0x116: {  	s1 =	sadd.f32 s1, s23;
	s8 =	spop (v2sf);
	s3 =	sadd.s32 s5, s3  }
0x117: {  	s0 =	sadd.f32 s0, s12;
	s10 =	spop (v2sf);
	s3 =	sadd.s32 s8, s3  }
0x118: {  	s1 =	sadd.f32 s1, s22;
	s12 =	spop (v2sf);
	s3 =	sadd.s32 s10, s3  }
0x119: {  	s0 =	sadd.f32 s0, s31;
	s23 =	spop (v2sf);
	s3 =	sadd.s32 s12, s3  }
0x11a: {  	s1 =	sadd.f32 s1, s20;
	s24 =	spop (v2sf);
	s3 =	sadd.s32 s23, s3  }
0x11b: {  	s0 =	sadd.f32 s0, s2;
	s25 =	spop (v2sf);
	s26 =	sadd.s32 s24, s3  }
0x11c: {  	s1 =	sadd.f32 s1, s18;
	s28 =	spop (v2sf);
	s2 =	sadd.s32 s25, s26  }
0x11d: {  	s0 =	sadd.f32 s0, s30;
	s2 =	sadd.s32 s28, s2  }
0x11e: {  	s1 =	sadd.f32 s1, s16;
	s2 =	ssub.s32 s15, s2  }
0x11f: {  	s0 =	sadd.f32 s0, s7;
	s2 =	scvt.s32.f32 s2  }
0x120: {  	s1 =	sadd.f32 s1, s17  }
0x121: {  	s0 =	sadd.f32 s0, s29;
	v2 =	vmul.f32 s2, v3;
	_ =	sdelay $0x1  }
0x122: {  	s1 =	sadd.f32 s1, s19;
	v2 =	vadd.f32 s0, v2  }
0x123: {  	p0 =	sgt.s32 s15, $0x0  }
0x124: {  	s29 =	sadd.f32 s1, s21;
	v2 =	vpsel !p0, $0x0, v2  }
0x125: {  	vm1 =	veq.s32 v1, $0x1;
	v2 =	vnsel vm0, $0x0, v2  }
0x126: {  	s13 =	sadd.s32 $0x1, s13;
	v2 =	vsel vm1, s29, v2;
	vm1 =	veq.s32 v1, $0x2  }
0x127: {  	s31 =	simm.s32 $0x12000;
	p0 =	sne.s32 s13, s6;
	v2 =	vsel vm1, s14, v2  }
.Ltmp4:
0x128: {  	s30 =	rddreg [dreg:$0x4];
	s0 =	simm.s32 $0x0;
	[tilespmem:$0x12000] =	vst v2;
	(pc) =	sbr.rel @p0 .LBB2_1-.Ltmp4, $4  }
0x129: {  	[hbm4b:s30+s0] =	stream.linear.scatter [tilespmem:s31], [sflag:$0x1], $0x80, $0x38;
	[tilespmem:$0x12080] =	vst v63  }
0x12a: {  	_ =	swait.ge [sflag:s9], $0x80  }
0x12b: {  	[sflag:s9] =	ssyncset.done $0x0  }
0x12c: {  	[sflag:s9] =	ssyncadd.s32 $0xFFFFFF80  }
0x12d: {  	_ =	sfence.sel $0x180000  }
0x12e: {  	[bflag:$0x0] =	sbarrier.arrive $0xFFFF  }
0x12f: {  	_ =	strace $0x90000047  }
0x130: {  	s0 =	stileid.u32;
	[bflag:$0x2] =	sbarrier.arrive $0xFFFF  }
0x131: {  	p0 =	sne.s32 s0, $0x0;
	s0 =	rddreg [dreg:$0x1]  }
0x132: {  	s0 =	sadd.s32 @!p0 $0x100000, s0  }
0x133: {  	[sflag:s0] =	ssyncadd.tile.s32 @!p0 $0x1;
	_ =	shalt  }
.Lfunc_end2:
_tile_overlayer_lowered:
.L_overlay_start_2:
0x134: {  	(tag) =	ssettag $0x2  }
0x135: {  	s0 =	rddreg [dreg:$0x0];
	s2 =	stileid.u32  }
0x136: {  	s1 =	rddreg [dreg:$0x1];
	p0 =	sne.s32 s2, $0x0  }
0x137: {  	s3 =	rddreg [dreg:$0x2];
	[bflag:$0x3] =	sbarrier.arrive $0xFFFF;
	s2 =	simm.s32 @!p0 $0x1C01  }
0x138: {  	[timem:s3], [sflag:s2] =	dma.local @!p0 [hbm:s0], s1  }
0x139: {  	s0 =	simm.s32 @!p0 $0x1  }
0x13a: {  	_ =	swait.ge @!p0 [sflag:s0], s1  }
0x13b: {  	s1 =	ssub.s32 @!p0 $0x0, s1;
	[sflag:s0] =	ssyncset.done @!p0 $0x0  }
0x13c: {  	[sflag:s0] =	ssyncadd.s32 @!p0 s1  }
0x13d: {  	[bflag:$0x3] =	sbarrier.arrive $0xFFFF  }
0x13e: {  	_ =	shalt  }

</sc_bundles>
